<compile_context>
chip_gen: v7x
topology: tpu7x:2x2x1
jax: 0.10.2.dev20260603
libtpu: 0.0.44.dev20260713+nightly
codegen_flags: <defaults>
</compile_context>

<pallas_src>
import functools

import jax
import jax.numpy as jnp
from jax import lax
from jax.experimental import pallas as pl
from jax.experimental.pallas import tpu as pltpu
from jax.experimental.pallas import tpu_sc as plsc

_SCALE = 0.0625
_P = 7
_S = 2
_C = 256
_H = 128
_W = 128
_R = 64
_BINS = _R * _P * _P
_K = _S * _S * 4
_NW = 32
_BPW = _BINS // _NW
_CB = 7
_NCHUNK = _BPW // _CB
_ROWS = _CB * _K
_TRANS_STD = 0.1


def _wt_kernel(rois_ref, off_ref, idx_ref, wts_ref):
    r = rois_ref[...]
    off = off_ref[...]
    batch = r[:, 0:1].astype(jnp.int32)
    sw = jnp.round(r[:, 1:2]) * _SCALE - 0.5
    sh = jnp.round(r[:, 2:3]) * _SCALE - 0.5
    ew = (jnp.round(r[:, 3:4]) + 1.0) * _SCALE - 0.5
    eh = (jnp.round(r[:, 4:5]) + 1.0) * _SCALE - 0.5
    roi_w = jnp.maximum(ew - sw, 0.1)
    roi_h = jnp.maximum(eh - sh, 0.1)
    bin_w = roi_w / _P
    bin_h = roi_h / _P
    sub_w = bin_w / _S
    sub_h = bin_h / _S
    colf = lax.broadcasted_iota(jnp.int32, (_R, _P * _P), 1).astype(jnp.float32)
    phf = jnp.floor(colf / _P)
    pwf = colf - float(_P) * phf
    tx = off[:, : _P * _P] * _TRANS_STD
    ty = off[:, _P * _P :] * _TRANS_STD
    wstart = pwf * bin_w + sw + tx * roi_w
    hstart = phf * bin_h + sh + ty * roi_h

    cnt = jnp.zeros((_R, _P * _P), jnp.float32)
    samples = []
    for sy in range(_S):
        for sx in range(_S):
            w = wstart + float(sx) * sub_w
            h = hstart + float(sy) * sub_h
            valid = (w > -0.5) & (w < _W - 0.5) & (h > -0.5) & (h < _H - 0.5)
            cnt = cnt + valid.astype(jnp.float32)
            samples.append((w, h, valid))
    inv = 1.0 / jnp.maximum(cnt, 1.0)
    base_b = batch * (_H * _W)

    for si, (w, h, valid) in enumerate(samples):
        wc = jnp.clip(w, 0.0, _W - 1.0)
        hc = jnp.clip(h, 0.0, _H - 1.0)
        x0f = jnp.floor(wc)
        y0f = jnp.floor(hc)
        dx = wc - x0f
        dy = hc - y0f
        x0 = x0f.astype(jnp.int32)
        y0 = y0f.astype(jnp.int32)
        x1 = jnp.clip(jnp.ceil(wc), 0.0, _W - 1.0).astype(jnp.int32)
        y1 = jnp.clip(jnp.ceil(hc), 0.0, _H - 1.0).astype(jnp.int32)
        vw = jnp.where(valid, inv, 0.0)
        row0 = base_b + y0 * _W
        row1 = base_b + y1 * _W
        corners = (
            (row0 + x0, (1.0 - dx) * (1.0 - dy)),
            (row0 + x1, dx * (1.0 - dy)),
            (row1 + x0, (1.0 - dx) * dy),
            (row1 + x1, dx * dy),
        )
        k4 = si * 4
        for ci, (ix, wt) in enumerate(corners):
            idx_ref[:, :, k4 + ci] = ix
            wts_ref[:, :, (k4 + ci) * 16 : (k4 + ci + 1) * 16] = (
                jnp.broadcast_to((wt * vw)[:, :, None], (_R, _P * _P, 16)))


def _compute_idx_wts(rois, offset):
    off2 = offset.reshape(_R, 2 * _P * _P)
    idx3, wts3 = pl.pallas_call(
        _wt_kernel,
        out_shape=[
            jax.ShapeDtypeStruct((_R, _P * _P, _K), jnp.int32),
            jax.ShapeDtypeStruct((_R, _P * _P, _K * 16), jnp.float32),
        ],
    )(rois, off2)
    return idx3.reshape(-1), wts3.reshape(-1)


def _sc_body(idx_hbm, wts_hbm, table_hbm, out_hbm, idx_v, wts_v, rows_v,
             ob_v, sem0, sem1):
    wid = lax.axis_index("s") * 2 + lax.axis_index("c")
    kbase = wid * (_BPW * _K)
    pltpu.sync_copy(idx_hbm.at[pl.ds(kbase, _BPW * _K)], idx_v)
    sems = (sem0, sem1)

    def gather_desc(ch, b):
        off = pl.multiple_of(ch * _ROWS, 8)
        return pltpu.make_async_copy(
            table_hbm.at[idx_v.at[pl.ds(off, _ROWS)]], rows_v.at[b], sems[b])

    gather_desc(0, 0).start()
    pltpu.sync_copy(wts_hbm.at[pl.ds(kbase * 16, _BPW * _K * 16)], wts_v)

    def outer(g, carry):
        for b in range(2):
            ch = g * 2 + b
            nxt = ch + 1

            @pl.when(nxt < _NCHUNK)
            def _():
                gather_desc(nxt, 1 - b).start()

            gather_desc(ch, b).wait()

            def bin_body(i, c2):
                kb = ch * _ROWS + i * _K

                def k_body(kk, acc):
                    woff = pl.multiple_of((kb + kk) * 16, 16)
                    wk = wts_v[pl.ds(woff, 16)]
                    row = i * _K + kk
                    return tuple(
                        acc[d] + wk * rows_v[b, row, pl.ds(d * 16, 16)]
                        for d in range(16))

                acc0 = tuple(jnp.zeros((16,), jnp.float32) for _ in range(16))
                acc = lax.fori_loop(0, _K, k_body, acc0)
                obin = ch * _CB + i
                for d in range(16):
                    ob_v[obin, pl.ds(d * 16, 16)] = acc[d]
                return c2

            lax.fori_loop(0, _CB, bin_body, 0)
        return carry

    lax.fori_loop(0, _NCHUNK // 2, outer, 0)
    pltpu.sync_copy(ob_v, out_hbm.at[wid])


@functools.partial(jax.jit)
def _deform_roi_pool_sc(data, rois, offset):
    table = jnp.transpose(data, (0, 2, 3, 1)).reshape(-1, _C)
    idx_flat, wts_exp = _compute_idx_wts(rois, offset)
    mesh = plsc.VectorSubcoreMesh(core_axis_name="c", subcore_axis_name="s")
    sc = pl.kernel(
        _sc_body,
        mesh=mesh,
        out_type=jax.ShapeDtypeStruct((_NW, _BPW, _C), jnp.float32),
        scratch_types=[
            pltpu.VMEM((_BPW * _K,), jnp.int32),
            pltpu.VMEM((_BPW * _K * 16,), jnp.float32),
            pltpu.VMEM((2, _ROWS, _C), jnp.float32),
            pltpu.VMEM((_BPW, _C), jnp.float32),
            pltpu.SemaphoreType.DMA,
            pltpu.SemaphoreType.DMA,
        ],
    )
    out_bins = sc(idx_flat, wts_exp, table)
    return out_bins.reshape(_R, _P, _P, _C).transpose(0, 3, 1, 2)


def kernel(data, rois, offset):
    return _deform_roi_pool_sc(data, rois, offset)

# --- scband reference (transcript-rebuilt; emitter-appended) ---
"""Pipeline reference for scband-deform-ro-ipooling-41463614276037 (READ-ONLY COPY).

The authoritative reference and input builder live on the scoring server;
editing this copy changes nothing except your own understanding.
"""

import jax, jax.numpy as jnp
import numpy as np

SPATIAL_SCALE = 0.0625
OUT_SIZE = 7
OUTPUT_DIM = 256
NO_TRANS = False
GROUP_SIZE = 1
PART_SIZE = 7
SAMPLE_PER_PART = 2
TRANS_STD = 0.1


def setup_inputs(seed: int = 0):
    key = jax.random.key(seed)
    k1, k2, k3, k4, k5, k6, k7 = jax.random.split(key, 7)
    data = jax.random.normal(k1, (4, 256, 128, 128), dtype=jnp.float32)
    R = 64
    img = 128.0 / SPATIAL_SCALE
    batch_idx = jax.random.randint(k2, (R,), 0, 4).astype(jnp.float32)
    x1 = jax.random.uniform(k3, (R,), minval=0.0, maxval=img - 64.0)
    y1 = jax.random.uniform(k4, (R,), minval=0.0, maxval=img - 64.0)
    bw = jax.random.uniform(k5, (R,), minval=32.0, maxval=400.0)
    bh = jax.random.uniform(k6, (R,), minval=32.0, maxval=400.0)
    rois = jnp.stack([batch_idx, x1, y1, jnp.minimum(x1 + bw, img - 1.0), jnp.minimum(y1 + bh, img - 1.0)], axis=1)
    offset = jax.random.normal(k7, (R, 2, PART_SIZE, PART_SIZE), dtype=jnp.float32)
    return {"data": data, "rois": rois, "offset": offset}


def _deform_roi_pool(data, rois, offset):
    N, C, H, W = data.shape
    R = rois.shape[0]
    P = OUT_SIZE
    S = SAMPLE_PER_PART
    batch = rois[:, 0].astype(jnp.int32)
    roi_sw = jnp.round(rois[:, 1]) * SPATIAL_SCALE - 0.5
    roi_sh = jnp.round(rois[:, 2]) * SPATIAL_SCALE - 0.5
    roi_ew = (jnp.round(rois[:, 3]) + 1.0) * SPATIAL_SCALE - 0.5
    roi_eh = (jnp.round(rois[:, 4]) + 1.0) * SPATIAL_SCALE - 0.5
    roi_w = jnp.maximum(roi_ew - roi_sw, 0.1)
    roi_h = jnp.maximum(roi_eh - roi_sh, 0.1)
    bin_w = roi_w / P
    bin_h = roi_h / P
    sub_w = bin_w / S
    sub_h = bin_h / S
    ph = jnp.arange(P)
    pw = jnp.arange(P)
    part_h = jnp.floor(ph.astype(jnp.float32) / P * PART_SIZE).astype(jnp.int32)
    part_w = jnp.floor(pw.astype(jnp.float32) / P * PART_SIZE).astype(jnp.int32)
    if NO_TRANS:
        trans_x = jnp.zeros((R, P, P), dtype=jnp.float32)
        trans_y = jnp.zeros((R, P, P), dtype=jnp.float32)
    else:
        trans_x = offset[:, 0][:, part_h[:, None], part_w[None, :]] * TRANS_STD
        trans_y = offset[:, 1][:, part_h[:, None], part_w[None, :]] * TRANS_STD
    wstart = pw[None, None, :] * bin_w[:, None, None] + roi_sw[:, None, None] + trans_x * roi_w[:, None, None]
    hstart = ph[None, :, None] * bin_h[:, None, None] + roi_sh[:, None, None] + trans_y * roi_h[:, None, None]
    iw = jnp.arange(S).astype(jnp.float32)
    ih = jnp.arange(S).astype(jnp.float32)
    w = wstart[:, :, :, None, None] + iw[None, None, None, None, :] * sub_w[:, None, None, None, None]
    h = hstart[:, :, :, None, None] + ih[None, None, None, :, None] * sub_h[:, None, None, None, None]
    valid = (w > -0.5) & (w < W - 0.5) & (h > -0.5) & (h < H - 0.5)
    wc = jnp.clip(w, 0.0, W - 1.0)
    hc = jnp.clip(h, 0.0, H - 1.0)
    x0f = jnp.floor(wc)
    y0f = jnp.floor(hc)
    dx = wc - x0f
    dy = hc - y0f
    x0 = x0f.astype(jnp.int32)
    x1i = jnp.clip(jnp.ceil(wc).astype(jnp.int32), 0, W - 1)
    y0 = y0f.astype(jnp.int32)
    y1i = jnp.clip(jnp.ceil(hc).astype(jnp.int32), 0, H - 1)
    gh = jnp.clip(jnp.floor(ph.astype(jnp.float32) * GROUP_SIZE / P).astype(jnp.int32), 0, GROUP_SIZE - 1)
    gw = jnp.clip(jnp.floor(pw.astype(jnp.float32) * GROUP_SIZE / P).astype(jnp.int32), 0, GROUP_SIZE - 1)
    c_idx = (jnp.arange(OUTPUT_DIM, dtype=jnp.int32)[:, None, None] * GROUP_SIZE + gh[None, :, None]) * GROUP_SIZE + gw[None, None, :]
    b = batch[:, None, None, None, None, None]
    c = c_idx[None, :, :, :, None, None]

    def gather(yi, xi):
        return data[b, c, yi[:, None], xi[:, None]]

    v00 = gather(y0, x0)
    v01 = gather(y0, x1i)
    v10 = gather(y1i, x0)
    v11 = gather(y1i, x1i)
    dxb = dx[:, None]
    dyb = dy[:, None]
    val = (1.0 - dxb) * (1.0 - dyb) * v00 + dxb * (1.0 - dyb) * v01 + (1.0 - dxb) * dyb * v10 + dxb * dyb * v11
    val = jnp.where(valid[:, None], val, 0.0)
    s = val.sum(axis=(-1, -2))
    cnt = valid.sum(axis=(-1, -2)).astype(jnp.float32)[:, None]
    out = jnp.where(cnt > 0, s / jnp.maximum(cnt, 1.0), 0.0)
    return out


def reference(data, rois, offset):
    return _deform_roi_pool(data, rois, offset)

if __name__ == "__main__":
    import jax
    _d = setup_inputs()
    print(jax.jit(kernel)(*tuple(_d.values())))

</pallas_src>

<mosaic_0001>
#map = affine_map<(d0, d1) -> (0)>
#map1 = affine_map<(d0, d1) -> (0, 0)>
#map2 = affine_map<(d0, d1) -> (0, 0, 0)>
module attributes {stable_mosaic.version = 14 : i64} {
  func.func @_sc_body(%arg0: i32, %arg1: i32, %arg2: memref<50176xi32, #tpu.memory_space<hbm>>, %arg3: memref<802816xf32, #tpu.memory_space<hbm>>, %arg4: memref<65536x256xf32, #tpu.memory_space<hbm>>, %arg5: memref<32x98x256xf32, #tpu.memory_space<hbm>>, %arg6: memref<1568xi32, #tpu.memory_space<vmem>>, %arg7: memref<25088xf32, #tpu.memory_space<vmem>>, %arg8: memref<2x112x256xf32, #tpu.memory_space<vmem>>, %arg9: memref<98x256xf32, #tpu.memory_space<vmem>>, %arg10: memref<!tpu.dma_semaphore, #tpu.memory_space<semaphore_mem>>, %arg11: memref<!tpu.dma_semaphore, #tpu.memory_space<semaphore_mem>>) attributes {dimension_semantics = [#tpu.dimension_semantics<core_parallel>, #tpu.dimension_semantics<subcore_parallel>], iteration_bounds = array<i64: 2, 16>, scalar_prefetch = 0 : i64, scratch_operands = 6 : i64, tpu.core_type = #tpu.core_type<sc_vector_subcore>, window_params = [{transform_indices = #map}, {transform_indices = #map}, {transform_indices = #map1}, {transform_indices = #map2}]} {
    %mul3A = arith.constant 2 : i32
    %mul3A_0 = arith.muli %arg1, %mul3A : i32
    %add3A = arith.addi %mul3A_0, %arg0 : i32
    %mul3A_1 = arith.constant 1568 : i32
    %mul3A_2 = arith.muli %add3A, %mul3A_1 : i32
    "tpu.region"() ({
      %run_scoped3A = tpu.sem_alloc : memref<!tpu.dma_semaphore, #tpu.memory_space<semaphore_mem>>
      %dma_start3A_19 = tpu.memref_slice %arg2[%mul3A_2] : memref<50176xi32, #tpu.memory_space<hbm>> -> memref<1568xi32, #tpu.memory_space<hbm>>
      %dma_start3A_20 = tpu.memref_slice %arg2[%mul3A_2] : memref<50176xi32, #tpu.memory_space<hbm>> -> memref<1568xi32, #tpu.memory_space<hbm>>
      tpu.enqueue_dma source(%dma_start3A_20 : memref<1568xi32, #tpu.memory_space<hbm>>) target(%arg6 : memref<1568xi32, #tpu.memory_space<vmem>>) target_semaphore(%run_scoped3A : memref<!tpu.dma_semaphore, #tpu.memory_space<semaphore_mem>>)
      %dma_wait3A = tpu.memref_slice %arg2[%mul3A_2] : memref<50176xi32, #tpu.memory_space<hbm>> -> memref<1568xi32, #tpu.memory_space<hbm>>
      %dma_wait3A_21 = tpu.memref_slice %arg2[%mul3A_2] : memref<50176xi32, #tpu.memory_space<hbm>> -> memref<1568xi32, #tpu.memory_space<hbm>>
      tpu.wait_dma2 semaphore(%run_scoped3A : memref<!tpu.dma_semaphore, #tpu.memory_space<semaphore_mem>>) src(%dma_wait3A_21 : memref<1568xi32, #tpu.memory_space<hbm>>) dst(%arg6 : memref<1568xi32, #tpu.memory_space<vmem>>)
      tpu.yield
    }) : () -> ()
    %multiple_of3A = arith.constant 0 : i32
    %multiple_of3A_3 = tpu.assume_multiple %multiple_of3A, 8 : i32
    %dma_start3A = arith.constant 0 : i32
    %dma_start3A_4 = arith.constant 0 : i32
    %dma_start3A_5 = arith.constant 0 : i32
    %dma_start3A_6 = tpu.memref_slice %arg8[%dma_start3A, %dma_start3A_4, %dma_start3A_5] : memref<2x112x256xf32, #tpu.memory_space<vmem>> -> memref<1x112x256xf32, #tpu.memory_space<vmem>>
    %dma_start3A_7 = tpu.memref_squeeze %dma_start3A_6 : memref<1x112x256xf32, #tpu.memory_space<vmem>> -> memref<112x256xf32, #tpu.memory_space<vmem>>
    %dma_start3A_8 = tpu.memref_slice %arg6[%multiple_of3A_3] : memref<1568xi32, #tpu.memory_space<vmem>> -> memref<112xi32, #tpu.memory_space<vmem>>
    %dma_start3A_9 = arith.constant 0 : i32
    %dma_start3A_10 = arith.constant 0 : i32
    %dma_start3A_11 = tpu.memref_slice %arg4[%dma_start3A_9, %dma_start3A_10] : memref<65536x256xf32, #tpu.memory_space<hbm>> -> memref<65536x256xf32, #tpu.memory_space<hbm>>
    tpu.enqueue_indirect_dma source(%dma_start3A_11 : memref<65536x256xf32, #tpu.memory_space<hbm>>) target(%dma_start3A_7 : memref<112x256xf32, #tpu.memory_space<vmem>>) offsets(%dma_start3A_8 : memref<112xi32, #tpu.memory_space<vmem>>) semaphore(%arg10 : memref<!tpu.dma_semaphore, #tpu.memory_space<semaphore_mem>>)
    %mul3A_12 = arith.constant 16 : i32
    %mul3A_13 = arith.muli %mul3A_2, %mul3A_12 : i32
    "tpu.region"() ({
      %run_scoped3A = tpu.sem_alloc : memref<!tpu.dma_semaphore, #tpu.memory_space<semaphore_mem>>
      %dma_start3A_19 = tpu.memref_slice %arg3[%mul3A_13] : memref<802816xf32, #tpu.memory_space<hbm>> -> memref<25088xf32, #tpu.memory_space<hbm>>
      %dma_start3A_20 = tpu.memref_slice %arg3[%mul3A_13] : memref<802816xf32, #tpu.memory_space<hbm>> -> memref<25088xf32, #tpu.memory_space<hbm>>
      tpu.enqueue_dma source(%dma_start3A_20 : memref<25088xf32, #tpu.memory_space<hbm>>) target(%arg7 : memref<25088xf32, #tpu.memory_space<vmem>>) target_semaphore(%run_scoped3A : memref<!tpu.dma_semaphore, #tpu.memory_space<semaphore_mem>>)
      %dma_wait3A = tpu.memref_slice %arg3[%mul3A_13] : memref<802816xf32, #tpu.memory_space<hbm>> -> memref<25088xf32, #tpu.memory_space<hbm>>
      %dma_wait3A_21 = tpu.memref_slice %arg3[%mul3A_13] : memref<802816xf32, #tpu.memory_space<hbm>> -> memref<25088xf32, #tpu.memory_space<hbm>>
      tpu.wait_dma2 semaphore(%run_scoped3A : memref<!tpu.dma_semaphore, #tpu.memory_space<semaphore_mem>>) src(%dma_wait3A_21 : memref<25088xf32, #tpu.memory_space<hbm>>) dst(%arg7 : memref<25088xf32, #tpu.memory_space<vmem>>)
      tpu.yield
    }) : () -> ()
    %scan3A = arith.constant 0 : i32
    %scan3A_14 = arith.constant 0 : i32
    %scan3A_15 = arith.constant 7 : i32
    %scan3A_16 = arith.addi %scan3A_14, %scan3A_15 : i32
    %scan3A_17 = arith.constant 1 : i32
    scf.for %scan3A_19 = %scan3A_14 to %scan3A_16 step %scan3A_17  : i32 {
      %mul3A_20 = arith.constant 2 : i32
      %mul3A_21 = arith.muli %scan3A_19, %mul3A_20 : i32
      %add3A_22 = arith.constant 0 : i32
      %add3A_23 = arith.addi %mul3A_21, %add3A_22 : i32
      %add3A_24 = arith.constant 1 : i32
      %add3A_25 = arith.addi %add3A_23, %add3A_24 : i32
      %lt3A = arith.constant 14 : i32
      %lt3A_26 = arith.cmpi slt, %add3A_25, %lt3A : i32
      %convert_element_type3A = arith.extui %lt3A_26 : i1 to i32
      %cond3A = arith.constant 0 : i32
      %cond3A_27 = arith.cmpi ne, %convert_element_type3A, %cond3A : i32
      scf.if %cond3A_27 {
        %mul3A_74 = arith.constant 112 : i32
        %mul3A_75 = arith.muli %add3A_25, %mul3A_74 : i32
        %multiple_of3A_76 = tpu.assume_multiple %mul3A_75, 8 : i32
        %dma_start3A_77 = arith.constant 1 : i32
        %dma_start3A_78 = arith.constant 0 : i32
        %dma_start3A_79 = arith.constant 0 : i32
        %dma_start3A_80 = tpu.memref_slice %arg8[%dma_start3A_77, %dma_start3A_78, %dma_start3A_79] : memref<2x112x256xf32, #tpu.memory_space<vmem>> -> memref<1x112x256xf32, #tpu.memory_space<vmem>>
        %dma_start3A_81 = tpu.memref_squeeze %dma_start3A_80 : memref<1x112x256xf32, #tpu.memory_space<vmem>> -> memref<112x256xf32, #tpu.memory_space<vmem>>
        %dma_start3A_82 = tpu.memref_slice %arg6[%multiple_of3A_76] : memref<1568xi32, #tpu.memory_space<vmem>> -> memref<112xi32, #tpu.memory_space<vmem>>
        %dma_start3A_83 = arith.constant 0 : i32
        %dma_start3A_84 = arith.constant 0 : i32
        %dma_start3A_85 = tpu.memref_slice %arg4[%dma_start3A_83, %dma_start3A_84] : memref<65536x256xf32, #tpu.memory_space<hbm>> -> memref<65536x256xf32, #tpu.memory_space<hbm>>
        tpu.enqueue_indirect_dma source(%dma_start3A_85 : memref<65536x256xf32, #tpu.memory_space<hbm>>) target(%dma_start3A_81 : memref<112x256xf32, #tpu.memory_space<vmem>>) offsets(%dma_start3A_82 : memref<112xi32, #tpu.memory_space<vmem>>) semaphore(%arg11 : memref<!tpu.dma_semaphore, #tpu.memory_space<semaphore_mem>>)
      } else {
      }
      %mul3A_28 = arith.constant 112 : i32
      %mul3A_29 = arith.muli %add3A_23, %mul3A_28 : i32
      %multiple_of3A_30 = tpu.assume_multiple %mul3A_29, 8 : i32
      %dma_wait3A = arith.constant 0 : i32
      %dma_wait3A_31 = arith.constant 0 : i32
      %dma_wait3A_32 = arith.constant 0 : i32
      %dma_wait3A_33 = tpu.memref_slice %arg8[%dma_wait3A, %dma_wait3A_31, %dma_wait3A_32] : memref<2x112x256xf32, #tpu.memory_space<vmem>> -> memref<1x112x256xf32, #tpu.memory_space<vmem>>
      %dma_wait3A_34 = tpu.memref_squeeze %dma_wait3A_33 : memref<1x112x256xf32, #tpu.memory_space<vmem>> -> memref<112x256xf32, #tpu.memory_space<vmem>>
      %dma_wait3A_35 = tpu.memref_slice %arg6[%multiple_of3A_30] : memref<1568xi32, #tpu.memory_space<vmem>> -> memref<112xi32, #tpu.memory_space<vmem>>
      %dma_wait3A_36 = arith.constant 0 : i32
      %dma_wait3A_37 = arith.constant 0 : i32
      %dma_wait3A_38 = tpu.memref_slice %arg4[%dma_wait3A_36, %dma_wait3A_37] : memref<65536x256xf32, #tpu.memory_space<hbm>> -> memref<65536x256xf32, #tpu.memory_space<hbm>>
      tpu.wait_indirect_dma semaphore(%arg10 : memref<!tpu.dma_semaphore, #tpu.memory_space<semaphore_mem>>) src(%dma_wait3A_38 : memref<65536x256xf32, #tpu.memory_space<hbm>>) dst(%dma_wait3A_34 : memref<112x256xf32, #tpu.memory_space<vmem>>)
      %scan3A_39 = arith.constant 0 : i32
      %scan3A_40 = arith.constant 0 : i32
      %scan3A_41 = arith.constant 7 : i32
      %scan3A_42 = arith.addi %scan3A_40, %scan3A_41 : i32
      %scan3A_43 = arith.constant 1 : i32
      scf.for %scan3A_74 = %scan3A_40 to %scan3A_42 step %scan3A_43  : i32 {
        %mul3A_75 = arith.constant 112 : i32
        %mul3A_76 = arith.muli %add3A_23, %mul3A_75 : i32
        %mul3A_77 = arith.constant 16 : i32
        %mul3A_78 = arith.muli %scan3A_74, %mul3A_77 : i32
        %add3A_79 = arith.addi %mul3A_76, %mul3A_78 : i32
        %broadcast_in_dim3A = arith.constant 0.000000e+00 : f32
        %broadcast_in_dim3A_80 = vector.broadcast %broadcast_in_dim3A : f32 to vector<16xf32>
        %broadcast_in_dim3A_81 = arith.constant 0.000000e+00 : f32
        %broadcast_in_dim3A_82 = vector.broadcast %broadcast_in_dim3A_81 : f32 to vector<16xf32>
        %broadcast_in_dim3A_83 = arith.constant 0.000000e+00 : f32
        %broadcast_in_dim3A_84 = vector.broadcast %broadcast_in_dim3A_83 : f32 to vector<16xf32>
        %broadcast_in_dim3A_85 = arith.constant 0.000000e+00 : f32
        %broadcast_in_dim3A_86 = vector.broadcast %broadcast_in_dim3A_85 : f32 to vector<16xf32>
        %broadcast_in_dim3A_87 = arith.constant 0.000000e+00 : f32
        %broadcast_in_dim3A_88 = vector.broadcast %broadcast_in_dim3A_87 : f32 to vector<16xf32>
        %broadcast_in_dim3A_89 = arith.constant 0.000000e+00 : f32
        %broadcast_in_dim3A_90 = vector.broadcast %broadcast_in_dim3A_89 : f32 to vector<16xf32>
        %broadcast_in_dim3A_91 = arith.constant 0.000000e+00 : f32
        %broadcast_in_dim3A_92 = vector.broadcast %broadcast_in_dim3A_91 : f32 to vector<16xf32>
        %broadcast_in_dim3A_93 = arith.constant 0.000000e+00 : f32
        %broadcast_in_dim3A_94 = vector.broadcast %broadcast_in_dim3A_93 : f32 to vector<16xf32>
        %broadcast_in_dim3A_95 = arith.constant 0.000000e+00 : f32
        %broadcast_in_dim3A_96 = vector.broadcast %broadcast_in_dim3A_95 : f32 to vector<16xf32>
        %broadcast_in_dim3A_97 = arith.constant 0.000000e+00 : f32
        %broadcast_in_dim3A_98 = vector.broadcast %broadcast_in_dim3A_97 : f32 to vector<16xf32>
        %broadcast_in_dim3A_99 = arith.constant 0.000000e+00 : f32
        %broadcast_in_dim3A_100 = vector.broadcast %broadcast_in_dim3A_99 : f32 to vector<16xf32>
        %broadcast_in_dim3A_101 = arith.constant 0.000000e+00 : f32
        %broadcast_in_dim3A_102 = vector.broadcast %broadcast_in_dim3A_101 : f32 to vector<16xf32>
        %broadcast_in_dim3A_103 = arith.constant 0.000000e+00 : f32
        %broadcast_in_dim3A_104 = vector.broadcast %broadcast_in_dim3A_103 : f32 to vector<16xf32>
        %broadcast_in_dim3A_105 = arith.constant 0.000000e+00 : f32
        %broadcast_in_dim3A_106 = vector.broadcast %broadcast_in_dim3A_105 : f32 to vector<16xf32>
        %broadcast_in_dim3A_107 = arith.constant 0.000000e+00 : f32
        %broadcast_in_dim3A_108 = vector.broadcast %broadcast_in_dim3A_107 : f32 to vector<16xf32>
        %broadcast_in_dim3A_109 = arith.constant 0.000000e+00 : f32
        %broadcast_in_dim3A_110 = vector.broadcast %broadcast_in_dim3A_109 : f32 to vector<16xf32>
        %scan3A_111 = arith.constant 0 : i32
        %scan3A_112 = arith.constant 16 : i32
        %scan3A_113 = arith.addi %scan3A_111, %scan3A_112 : i32
        %scan3A_114 = arith.constant 1 : i32
        %scan3A_115:16 = scf.for %scan3A_199 = %scan3A_111 to %scan3A_113 step %scan3A_114 iter_args(%scan3A_200 = %broadcast_in_dim3A_80, %scan3A_201 = %broadcast_in_dim3A_82, %scan3A_202 = %broadcast_in_dim3A_84, %scan3A_203 = %broadcast_in_dim3A_86, %scan3A_204 = %broadcast_in_dim3A_88, %scan3A_205 = %broadcast_in_dim3A_90, %scan3A_206 = %broadcast_in_dim3A_92, %scan3A_207 = %broadcast_in_dim3A_94, %scan3A_208 = %broadcast_in_dim3A_96, %scan3A_209 = %broadcast_in_dim3A_98, %scan3A_210 = %broadcast_in_dim3A_100, %scan3A_211 = %broadcast_in_dim3A_102, %scan3A_212 = %broadcast_in_dim3A_104, %scan3A_213 = %broadcast_in_dim3A_106, %scan3A_214 = %broadcast_in_dim3A_108, %scan3A_215 = %broadcast_in_dim3A_110) -> (vector<16xf32>, vector<16xf32>, vector<16xf32>, vector<16xf32>, vector<16xf32>, vector<16xf32>, vector<16xf32>, vector<16xf32>, vector<16xf32>, vector<16xf32>, vector<16xf32>, vector<16xf32>, vector<16xf32>, vector<16xf32>, vector<16xf32>, vector<16xf32>)  : i32 {
          %add3A_216 = arith.addi %add3A_79, %scan3A_199 : i32
          %mul3A_217 = arith.constant 16 : i32
          %mul3A_218 = arith.muli %add3A_216, %mul3A_217 : i32
          %multiple_of3A_219 = tpu.assume_multiple %mul3A_218, 16 : i32
          %get3A = arith.index_cast %multiple_of3A_219 : i32 to index
          %get3A_220 = tpu.vector_load %arg7[%get3A] {strides = array<i32>} : memref<25088xf32, #tpu.memory_space<vmem>>, vector<16xf32>,
          %get3A_221 = vector.shape_cast %get3A_220 : vector<16xf32> to vector<16xf32>
          %mul3A_222 = arith.constant 16 : i32
          %mul3A_223 = arith.muli %scan3A_74, %mul3A_222 : i32
          %add3A_224 = arith.addi %mul3A_223, %scan3A_199 : i32
          %get3A_225 = arith.constant 0 : i32
          %get3A_226 = arith.index_cast %get3A_225 : i32 to index
          %get3A_227 = arith.index_cast %add3A_224 : i32 to index
          %get3A_228 = arith.constant 0 : index
          %get3A_229 = tpu.vector_load %arg8[%get3A_226, %get3A_227, %get3A_228] {strides = array<i32>} : memref<2x112x256xf32, #tpu.memory_space<vmem>>, vector<1x1x16xf32>,
          %get3A_230 = vector.shape_cast %get3A_229 : vector<1x1x16xf32> to vector<16xf32>
          %mul3A_231 = arith.mulf %get3A_221, %get3A_230 : vector<16xf32>
          %add3A_232 = arith.addf %scan3A_200, %mul3A_231 : vector<16xf32>
          %get3A_233 = arith.constant 0 : i32
          %get3A_234 = arith.index_cast %get3A_233 : i32 to index
          %get3A_235 = arith.index_cast %add3A_224 : i32 to index
          %get3A_236 = arith.constant 16 : index
          %get3A_237 = tpu.vector_load %arg8[%get3A_234, %get3A_235, %get3A_236] {strides = array<i32>} : memref<2x112x256xf32, #tpu.memory_space<vmem>>, vector<1x1x16xf32>,
          %get3A_238 = vector.shape_cast %get3A_237 : vector<1x1x16xf32> to vector<16xf32>
          %mul3A_239 = arith.mulf %get3A_221, %get3A_238 : vector<16xf32>
          %add3A_240 = arith.addf %scan3A_201, %mul3A_239 : vector<16xf32>
          %get3A_241 = arith.constant 0 : i32
          %get3A_242 = arith.index_cast %get3A_241 : i32 to index
          %get3A_243 = arith.index_cast %add3A_224 : i32 to index
          %get3A_244 = arith.constant 32 : index
          %get3A_245 = tpu.vector_load %arg8[%get3A_242, %get3A_243, %get3A_244] {strides = array<i32>} : memref<2x112x256xf32, #tpu.memory_space<vmem>>, vector<1x1x16xf32>,
          %get3A_246 = vector.shape_cast %get3A_245 : vector<1x1x16xf32> to vector<16xf32>
          %mul3A_247 = arith.mulf %get3A_221, %get3A_246 : vector<16xf32>
          %add3A_248 = arith.addf %scan3A_202, %mul3A_247 : vector<16xf32>
          %get3A_249 = arith.constant 0 : i32
          %get3A_250 = arith.index_cast %get3A_249 : i32 to index
          %get3A_251 = arith.index_cast %add3A_224 : i32 to index
          %get3A_252 = arith.constant 48 : index
          %get3A_253 = tpu.vector_load %arg8[%get3A_250, %get3A_251, %get3A_252] {strides = array<i32>} : memref<2x112x256xf32, #tpu.memory_space<vmem>>, vector<1x1x16xf32>,
          %get3A_254 = vector.shape_cast %get3A_253 : vector<1x1x16xf32> to vector<16xf32>
          %mul3A_255 = arith.mulf %get3A_221, %get3A_254 : vector<16xf32>
          %add3A_256 = arith.addf %scan3A_203, %mul3A_255 : vector<16xf32>
          %get3A_257 = arith.constant 0 : i32
          %get3A_258 = arith.index_cast %get3A_257 : i32 to index
          %get3A_259 = arith.index_cast %add3A_224 : i32 to index
          %get3A_260 = arith.constant 64 : index
          %get3A_261 = tpu.vector_load %arg8[%get3A_258, %get3A_259, %get3A_260] {strides = array<i32>} : memref<2x112x256xf32, #tpu.memory_space<vmem>>, vector<1x1x16xf32>,
          %get3A_262 = vector.shape_cast %get3A_261 : vector<1x1x16xf32> to vector<16xf32>
          %mul3A_263 = arith.mulf %get3A_221, %get3A_262 : vector<16xf32>
          %add3A_264 = arith.addf %scan3A_204, %mul3A_263 : vector<16xf32>
          %get3A_265 = arith.constant 0 : i32
          %get3A_266 = arith.index_cast %get3A_265 : i32 to index
          %get3A_267 = arith.index_cast %add3A_224 : i32 to index
          %get3A_268 = arith.constant 80 : index
          %get3A_269 = tpu.vector_load %arg8[%get3A_266, %get3A_267, %get3A_268] {strides = array<i32>} : memref<2x112x256xf32, #tpu.memory_space<vmem>>, vector<1x1x16xf32>,
          %get3A_270 = vector.shape_cast %get3A_269 : vector<1x1x16xf32> to vector<16xf32>
          %mul3A_271 = arith.mulf %get3A_221, %get3A_270 : vector<16xf32>
          %add3A_272 = arith.addf %scan3A_205, %mul3A_271 : vector<16xf32>
          %get3A_273 = arith.constant 0 : i32
          %get3A_274 = arith.index_cast %get3A_273 : i32 to index
          %get3A_275 = arith.index_cast %add3A_224 : i32 to index
          %get3A_276 = arith.constant 96 : index
          %get3A_277 = tpu.vector_load %arg8[%get3A_274, %get3A_275, %get3A_276] {strides = array<i32>} : memref<2x112x256xf32, #tpu.memory_space<vmem>>, vector<1x1x16xf32>,
          %get3A_278 = vector.shape_cast %get3A_277 : vector<1x1x16xf32> to vector<16xf32>
          %mul3A_279 = arith.mulf %get3A_221, %get3A_278 : vector<16xf32>
          %add3A_280 = arith.addf %scan3A_206, %mul3A_279 : vector<16xf32>
          %get3A_281 = arith.constant 0 : i32
          %get3A_282 = arith.index_cast %get3A_281 : i32 to index
          %get3A_283 = arith.index_cast %add3A_224 : i32 to index
          %get3A_284 = arith.constant 112 : index
          %get3A_285 = tpu.vector_load %arg8[%get3A_282, %get3A_283, %get3A_284] {strides = array<i32>} : memref<2x112x256xf32, #tpu.memory_space<vmem>>, vector<1x1x16xf32>,
          %get3A_286 = vector.shape_cast %get3A_285 : vector<1x1x16xf32> to vector<16xf32>
          %mul3A_287 = arith.mulf %get3A_221, %get3A_286 : vector<16xf32>
          %add3A_288 = arith.addf %scan3A_207, %mul3A_287 : vector<16xf32>
          %get3A_289 = arith.constant 0 : i32
          %get3A_290 = arith.index_cast %get3A_289 : i32 to index
          %get3A_291 = arith.index_cast %add3A_224 : i32 to index
          %get3A_292 = arith.constant 128 : index
          %get3A_293 = tpu.vector_load %arg8[%get3A_290, %get3A_291, %get3A_292] {strides = array<i32>} : memref<2x112x256xf32, #tpu.memory_space<vmem>>, vector<1x1x16xf32>,
          %get3A_294 = vector.shape_cast %get3A_293 : vector<1x1x16xf32> to vector<16xf32>
          %mul3A_295 = arith.mulf %get3A_221, %get3A_294 : vector<16xf32>
          %add3A_296 = arith.addf %scan3A_208, %mul3A_295 : vector<16xf32>
          %get3A_297 = arith.constant 0 : i32
          %get3A_298 = arith.index_cast %get3A_297 : i32 to index
          %get3A_299 = arith.index_cast %add3A_224 : i32 to index
          %get3A_300 = arith.constant 144 : index
          %get3A_301 = tpu.vector_load %arg8[%get3A_298, %get3A_299, %get3A_300] {strides = array<i32>} : memref<2x112x256xf32, #tpu.memory_space<vmem>>, vector<1x1x16xf32>,
          %get3A_302 = vector.shape_cast %get3A_301 : vector<1x1x16xf32> to vector<16xf32>
          %mul3A_303 = arith.mulf %get3A_221, %get3A_302 : vector<16xf32>
          %add3A_304 = arith.addf %scan3A_209, %mul3A_303 : vector<16xf32>
          %get3A_305 = arith.constant 0 : i32
          %get3A_306 = arith.index_cast %get3A_305 : i32 to index
          %get3A_307 = arith.index_cast %add3A_224 : i32 to index
          %get3A_308 = arith.constant 160 : index
          %get3A_309 = tpu.vector_load %arg8[%get3A_306, %get3A_307, %get3A_308] {strides = array<i32>} : memref<2x112x256xf32, #tpu.memory_space<vmem>>, vector<1x1x16xf32>,
          %get3A_310 = vector.shape_cast %get3A_309 : vector<1x1x16xf32> to vector<16xf32>
          %mul3A_311 = arith.mulf %get3A_221, %get3A_310 : vector<16xf32>
          %add3A_312 = arith.addf %scan3A_210, %mul3A_311 : vector<16xf32>
          %get3A_313 = arith.constant 0 : i32
          %get3A_314 = arith.index_cast %get3A_313 : i32 to index
          %get3A_315 = arith.index_cast %add3A_224 : i32 to index
          %get3A_316 = arith.constant 176 : index
          %get3A_317 = tpu.vector_load %arg8[%get3A_314, %get3A_315, %get3A_316] {strides = array<i32>} : memref<2x112x256xf32, #tpu.memory_space<vmem>>, vector<1x1x16xf32>,
          %get3A_318 = vector.shape_cast %get3A_317 : vector<1x1x16xf32> to vector<16xf32>
          %mul3A_319 = arith.mulf %get3A_221, %get3A_318 : vector<16xf32>
          %add3A_320 = arith.addf %scan3A_211, %mul3A_319 : vector<16xf32>
          %get3A_321 = arith.constant 0 : i32
          %get3A_322 = arith.index_cast %get3A_321 : i32 to index
          %get3A_323 = arith.index_cast %add3A_224 : i32 to index
          %get3A_324 = arith.constant 192 : index
          %get3A_325 = tpu.vector_load %arg8[%get3A_322, %get3A_323, %get3A_324] {strides = array<i32>} : memref<2x112x256xf32, #tpu.memory_space<vmem>>, vector<1x1x16xf32>,
          %get3A_326 = vector.shape_cast %get3A_325 : vector<1x1x16xf32> to vector<16xf32>
          %mul3A_327 = arith.mulf %get3A_221, %get3A_326 : vector<16xf32>
          %add3A_328 = arith.addf %scan3A_212, %mul3A_327 : vector<16xf32>
          %get3A_329 = arith.constant 0 : i32
          %get3A_330 = arith.index_cast %get3A_329 : i32 to index
          %get3A_331 = arith.index_cast %add3A_224 : i32 to index
          %get3A_332 = arith.constant 208 : index
          %get3A_333 = tpu.vector_load %arg8[%get3A_330, %get3A_331, %get3A_332] {strides = array<i32>} : memref<2x112x256xf32, #tpu.memory_space<vmem>>, vector<1x1x16xf32>,
          %get3A_334 = vector.shape_cast %get3A_333 : vector<1x1x16xf32> to vector<16xf32>
          %mul3A_335 = arith.mulf %get3A_221, %get3A_334 : vector<16xf32>
          %add3A_336 = arith.addf %scan3A_213, %mul3A_335 : vector<16xf32>
          %get3A_337 = arith.constant 0 : i32
          %get3A_338 = arith.index_cast %get3A_337 : i32 to index
          %get3A_339 = arith.index_cast %add3A_224 : i32 to index
          %get3A_340 = arith.constant 224 : index
          %get3A_341 = tpu.vector_load %arg8[%get3A_338, %get3A_339, %get3A_340] {strides = array<i32>} : memref<2x112x256xf32, #tpu.memory_space<vmem>>, vector<1x1x16xf32>,
          %get3A_342 = vector.shape_cast %get3A_341 : vector<1x1x16xf32> to vector<16xf32>
          %mul3A_343 = arith.mulf %get3A_221, %get3A_342 : vector<16xf32>
          %add3A_344 = arith.addf %scan3A_214, %mul3A_343 : vector<16xf32>
          %get3A_345 = arith.constant 0 : i32
          %get3A_346 = arith.index_cast %get3A_345 : i32 to index
          %get3A_347 = arith.index_cast %add3A_224 : i32 to index
          %get3A_348 = arith.constant 240 : index
          %get3A_349 = tpu.vector_load %arg8[%get3A_346, %get3A_347, %get3A_348] {strides = array<i32>} : memref<2x112x256xf32, #tpu.memory_space<vmem>>, vector<1x1x16xf32>,
          %get3A_350 = vector.shape_cast %get3A_349 : vector<1x1x16xf32> to vector<16xf32>
          %mul3A_351 = arith.mulf %get3A_221, %get3A_350 : vector<16xf32>
          %add3A_352 = arith.addf %scan3A_215, %mul3A_351 : vector<16xf32>
          scf.yield %add3A_232, %add3A_240, %add3A_248, %add3A_256, %add3A_264, %add3A_272, %add3A_280, %add3A_288, %add3A_296, %add3A_304, %add3A_312, %add3A_320, %add3A_328, %add3A_336, %add3A_344, %add3A_352 : vector<16xf32>, vector<16xf32>, vector<16xf32>, vector<16xf32>, vector<16xf32>, vector<16xf32>, vector<16xf32>, vector<16xf32>, vector<16xf32>, vector<16xf32>, vector<16xf32>, vector<16xf32>, vector<16xf32>, vector<16xf32>, vector<16xf32>, vector<16xf32>
        }
        %scan3A_116 = arith.constant 16 : i32
        %mul3A_117 = arith.constant 7 : i32
        %mul3A_118 = arith.muli %add3A_23, %mul3A_117 : i32
        %add3A_119 = arith.addi %mul3A_118, %scan3A_74 : i32
        %swap3A = arith.index_cast %add3A_119 : i32 to index
        %swap3A_120 = arith.constant 0 : index
        %swap3A_121 = tpu.vector_load %arg9[%swap3A, %swap3A_120] {strides = array<i32>} : memref<98x256xf32, #tpu.memory_space<vmem>>, vector<1x16xf32>,
        %swap3A_122 = vector.shape_cast %swap3A_121 : vector<1x16xf32> to vector<16xf32>
        %swap3A_123 = vector.shape_cast %scan3A_115#0 : vector<16xf32> to vector<1x16xf32>
        tpu.vector_store %arg9[%swap3A, %swap3A_120], %swap3A_123 {strides = array<i32>} : memref<98x256xf32, #tpu.memory_space<vmem>>, vector<1x16xf32>,
        %swap3A_124 = arith.index_cast %add3A_119 : i32 to index
        %swap3A_125 = arith.constant 16 : index
        %swap3A_126 = tpu.vector_load %arg9[%swap3A_124, %swap3A_125] {strides = array<i32>} : memref<98x256xf32, #tpu.memory_space<vmem>>, vector<1x16xf32>,
        %swap3A_127 = vector.shape_cast %swap3A_126 : vector<1x16xf32> to vector<16xf32>
        %swap3A_128 = vector.shape_cast %scan3A_115#1 : vector<16xf32> to vector<1x16xf32>
        tpu.vector_store %arg9[%swap3A_124, %swap3A_125], %swap3A_128 {strides = array<i32>} : memref<98x256xf32, #tpu.memory_space<vmem>>, vector<1x16xf32>,
        %swap3A_129 = arith.index_cast %add3A_119 : i32 to index
        %swap3A_130 = arith.constant 32 : index
        %swap3A_131 = tpu.vector_load %arg9[%swap3A_129, %swap3A_130] {strides = array<i32>} : memref<98x256xf32, #tpu.memory_space<vmem>>, vector<1x16xf32>,
        %swap3A_132 = vector.shape_cast %swap3A_131 : vector<1x16xf32> to vector<16xf32>
        %swap3A_133 = vector.shape_cast %scan3A_115#2 : vector<16xf32> to vector<1x16xf32>
        tpu.vector_store %arg9[%swap3A_129, %swap3A_130], %swap3A_133 {strides = array<i32>} : memref<98x256xf32, #tpu.memory_space<vmem>>, vector<1x16xf32>,
        %swap3A_134 = arith.index_cast %add3A_119 : i32 to index
        %swap3A_135 = arith.constant 48 : index
        %swap3A_136 = tpu.vector_load %arg9[%swap3A_134, %swap3A_135] {strides = array<i32>} : memref<98x256xf32, #tpu.memory_space<vmem>>, vector<1x16xf32>,
        %swap3A_137 = vector.shape_cast %swap3A_136 : vector<1x16xf32> to vector<16xf32>
        %swap3A_138 = vector.shape_cast %scan3A_115#3 : vector<16xf32> to vector<1x16xf32>
        tpu.vector_store %arg9[%swap3A_134, %swap3A_135], %swap3A_138 {strides = array<i32>} : memref<98x256xf32, #tpu.memory_space<vmem>>, vector<1x16xf32>,
        %swap3A_139 = arith.index_cast %add3A_119 : i32 to index
        %swap3A_140 = arith.constant 64 : index
        %swap3A_141 = tpu.vector_load %arg9[%swap3A_139, %swap3A_140] {strides = array<i32>} : memref<98x256xf32, #tpu.memory_space<vmem>>, vector<1x16xf32>,
        %swap3A_142 = vector.shape_cast %swap3A_141 : vector<1x16xf32> to vector<16xf32>
        %swap3A_143 = vector.shape_cast %scan3A_115#4 : vector<16xf32> to vector<1x16xf32>
        tpu.vector_store %arg9[%swap3A_139, %swap3A_140], %swap3A_143 {strides = array<i32>} : memref<98x256xf32, #tpu.memory_space<vmem>>, vector<1x16xf32>,
        %swap3A_144 = arith.index_cast %add3A_119 : i32 to index
        %swap3A_145 = arith.constant 80 : index
        %swap3A_146 = tpu.vector_load %arg9[%swap3A_144, %swap3A_145] {strides = array<i32>} : memref<98x256xf32, #tpu.memory_space<vmem>>, vector<1x16xf32>,
        %swap3A_147 = vector.shape_cast %swap3A_146 : vector<1x16xf32> to vector<16xf32>
        %swap3A_148 = vector.shape_cast %scan3A_115#5 : vector<16xf32> to vector<1x16xf32>
        tpu.vector_store %arg9[%swap3A_144, %swap3A_145], %swap3A_148 {strides = array<i32>} : memref<98x256xf32, #tpu.memory_space<vmem>>, vector<1x16xf32>,
        %swap3A_149 = arith.index_cast %add3A_119 : i32 to index
        %swap3A_150 = arith.constant 96 : index
        %swap3A_151 = tpu.vector_load %arg9[%swap3A_149, %swap3A_150] {strides = array<i32>} : memref<98x256xf32, #tpu.memory_space<vmem>>, vector<1x16xf32>,
        %swap3A_152 = vector.shape_cast %swap3A_151 : vector<1x16xf32> to vector<16xf32>
        %swap3A_153 = vector.shape_cast %scan3A_115#6 : vector<16xf32> to vector<1x16xf32>
        tpu.vector_store %arg9[%swap3A_149, %swap3A_150], %swap3A_153 {strides = array<i32>} : memref<98x256xf32, #tpu.memory_space<vmem>>, vector<1x16xf32>,
        %swap3A_154 = arith.index_cast %add3A_119 : i32 to index
        %swap3A_155 = arith.constant 112 : index
        %swap3A_156 = tpu.vector_load %arg9[%swap3A_154, %swap3A_155] {strides = array<i32>} : memref<98x256xf32, #tpu.memory_space<vmem>>, vector<1x16xf32>,
        %swap3A_157 = vector.shape_cast %swap3A_156 : vector<1x16xf32> to vector<16xf32>
        %swap3A_158 = vector.shape_cast %scan3A_115#7 : vector<16xf32> to vector<1x16xf32>
        tpu.vector_store %arg9[%swap3A_154, %swap3A_155], %swap3A_158 {strides = array<i32>} : memref<98x256xf32, #tpu.memory_space<vmem>>, vector<1x16xf32>,
        %swap3A_159 = arith.index_cast %add3A_119 : i32 to index
        %swap3A_160 = arith.constant 128 : index
        %swap3A_161 = tpu.vector_load %arg9[%swap3A_159, %swap3A_160] {strides = array<i32>} : memref<98x256xf32, #tpu.memory_space<vmem>>, vector<1x16xf32>,
        %swap3A_162 = vector.shape_cast %swap3A_161 : vector<1x16xf32> to vector<16xf32>
        %swap3A_163 = vector.shape_cast %scan3A_115#8 : vector<16xf32> to vector<1x16xf32>
        tpu.vector_store %arg9[%swap3A_159, %swap3A_160], %swap3A_163 {strides = array<i32>} : memref<98x256xf32, #tpu.memory_space<vmem>>, vector<1x16xf32>,
        %swap3A_164 = arith.index_cast %add3A_119 : i32 to index
        %swap3A_165 = arith.constant 144 : index
        %swap3A_166 = tpu.vector_load %arg9[%swap3A_164, %swap3A_165] {strides = array<i32>} : memref<98x256xf32, #tpu.memory_space<vmem>>, vector<1x16xf32>,
        %swap3A_167 = vector.shape_cast %swap3A_166 : vector<1x16xf32> to vector<16xf32>
        %swap3A_168 = vector.shape_cast %scan3A_115#9 : vector<16xf32> to vector<1x16xf32>
        tpu.vector_store %arg9[%swap3A_164, %swap3A_165], %swap3A_168 {strides = array<i32>} : memref<98x256xf32, #tpu.memory_space<vmem>>, vector<1x16xf32>,
        %swap3A_169 = arith.index_cast %add3A_119 : i32 to index
        %swap3A_170 = arith.constant 160 : index
        %swap3A_171 = tpu.vector_load %arg9[%swap3A_169, %swap3A_170] {strides = array<i32>} : memref<98x256xf32, #tpu.memory_space<vmem>>, vector<1x16xf32>,
        %swap3A_172 = vector.shape_cast %swap3A_171 : vector<1x16xf32> to vector<16xf32>
        %swap3A_173 = vector.shape_cast %scan3A_115#10 : vector<16xf32> to vector<1x16xf32>
        tpu.vector_store %arg9[%swap3A_169, %swap3A_170], %swap3A_173 {strides = array<i32>} : memref<98x256xf32, #tpu.memory_space<vmem>>, vector<1x16xf32>,
        %swap3A_174 = arith.index_cast %add3A_119 : i32 to index
        %swap3A_175 = arith.constant 176 : index
        %swap3A_176 = tpu.vector_load %arg9[%swap3A_174, %swap3A_175] {strides = array<i32>} : memref<98x256xf32, #tpu.memory_space<vmem>>, vector<1x16xf32>,
        %swap3A_177 = vector.shape_cast %swap3A_176 : vector<1x16xf32> to vector<16xf32>
        %swap3A_178 = vector.shape_cast %scan3A_115#11 : vector<16xf32> to vector<1x16xf32>
        tpu.vector_store %arg9[%swap3A_174, %swap3A_175], %swap3A_178 {strides = array<i32>} : memref<98x256xf32, #tpu.memory_space<vmem>>, vector<1x16xf32>,
        %swap3A_179 = arith.index_cast %add3A_119 : i32 to index
        %swap3A_180 = arith.constant 192 : index
        %swap3A_181 = tpu.vector_load %arg9[%swap3A_179, %swap3A_180] {strides = array<i32>} : memref<98x256xf32, #tpu.memory_space<vmem>>, vector<1x16xf32>,
        %swap3A_182 = vector.shape_cast %swap3A_181 : vector<1x16xf32> to vector<16xf32>
        %swap3A_183 = vector.shape_cast %scan3A_115#12 : vector<16xf32> to vector<1x16xf32>
        tpu.vector_store %arg9[%swap3A_179, %swap3A_180], %swap3A_183 {strides = array<i32>} : memref<98x256xf32, #tpu.memory_space<vmem>>, vector<1x16xf32>,
        %swap3A_184 = arith.index_cast %add3A_119 : i32 to index
        %swap3A_185 = arith.constant 208 : index
        %swap3A_186 = tpu.vector_load %arg9[%swap3A_184, %swap3A_185] {strides = array<i32>} : memref<98x256xf32, #tpu.memory_space<vmem>>, vector<1x16xf32>,
        %swap3A_187 = vector.shape_cast %swap3A_186 : vector<1x16xf32> to vector<16xf32>
        %swap3A_188 = vector.shape_cast %scan3A_115#13 : vector<16xf32> to vector<1x16xf32>
        tpu.vector_store %arg9[%swap3A_184, %swap3A_185], %swap3A_188 {strides = array<i32>} : memref<98x256xf32, #tpu.memory_space<vmem>>, vector<1x16xf32>,
        %swap3A_189 = arith.index_cast %add3A_119 : i32 to index
        %swap3A_190 = arith.constant 224 : index
        %swap3A_191 = tpu.vector_load %arg9[%swap3A_189, %swap3A_190] {strides = array<i32>} : memref<98x256xf32, #tpu.memory_space<vmem>>, vector<1x16xf32>,
        %swap3A_192 = vector.shape_cast %swap3A_191 : vector<1x16xf32> to vector<16xf32>
        %swap3A_193 = vector.shape_cast %scan3A_115#14 : vector<16xf32> to vector<1x16xf32>
        tpu.vector_store %arg9[%swap3A_189, %swap3A_190], %swap3A_193 {strides = array<i32>} : memref<98x256xf32, #tpu.memory_space<vmem>>, vector<1x16xf32>,
        %swap3A_194 = arith.index_cast %add3A_119 : i32 to index
        %swap3A_195 = arith.constant 240 : index
        %swap3A_196 = tpu.vector_load %arg9[%swap3A_194, %swap3A_195] {strides = array<i32>} : memref<98x256xf32, #tpu.memory_space<vmem>>, vector<1x16xf32>,
        %swap3A_197 = vector.shape_cast %swap3A_196 : vector<1x16xf32> to vector<16xf32>
        %swap3A_198 = vector.shape_cast %scan3A_115#15 : vector<16xf32> to vector<1x16xf32>
        tpu.vector_store %arg9[%swap3A_194, %swap3A_195], %swap3A_198 {strides = array<i32>} : memref<98x256xf32, #tpu.memory_space<vmem>>, vector<1x16xf32>,
      }
      %scan3A_44 = arith.constant 7 : i32
      %mul3A_45 = arith.constant 2 : i32
      %mul3A_46 = arith.muli %scan3A_19, %mul3A_45 : i32
      %add3A_47 = arith.constant 1 : i32
      %add3A_48 = arith.addi %mul3A_46, %add3A_47 : i32
      %add3A_49 = arith.constant 1 : i32
      %add3A_50 = arith.addi %add3A_48, %add3A_49 : i32
      %lt3A_51 = arith.constant 14 : i32
      %lt3A_52 = arith.cmpi slt, %add3A_50, %lt3A_51 : i32
      %convert_element_type3A_53 = arith.extui %lt3A_52 : i1 to i32
      %cond3A_54 = arith.constant 0 : i32
      %cond3A_55 = arith.cmpi ne, %convert_element_type3A_53, %cond3A_54 : i32
      scf.if %cond3A_55 {
        %mul3A_74 = arith.constant 112 : i32
        %mul3A_75 = arith.muli %add3A_50, %mul3A_74 : i32
        %multiple_of3A_76 = tpu.assume_multiple %mul3A_75, 8 : i32
        %dma_start3A_77 = arith.constant 0 : i32
        %dma_start3A_78 = arith.constant 0 : i32
        %dma_start3A_79 = arith.constant 0 : i32
        %dma_start3A_80 = tpu.memref_slice %arg8[%dma_start3A_77, %dma_start3A_78, %dma_start3A_79] : memref<2x112x256xf32, #tpu.memory_space<vmem>> -> memref<1x112x256xf32, #tpu.memory_space<vmem>>
        %dma_start3A_81 = tpu.memref_squeeze %dma_start3A_80 : memref<1x112x256xf32, #tpu.memory_space<vmem>> -> memref<112x256xf32, #tpu.memory_space<vmem>>
        %dma_start3A_82 = tpu.memref_slice %arg6[%multiple_of3A_76] : memref<1568xi32, #tpu.memory_space<vmem>> -> memref<112xi32, #tpu.memory_space<vmem>>
        %dma_start3A_83 = arith.constant 0 : i32
        %dma_start3A_84 = arith.constant 0 : i32
        %dma_start3A_85 = tpu.memref_slice %arg4[%dma_start3A_83, %dma_start3A_84] : memref<65536x256xf32, #tpu.memory_space<hbm>> -> memref<65536x256xf32, #tpu.memory_space<hbm>>
        tpu.enqueue_indirect_dma source(%dma_start3A_85 : memref<65536x256xf32, #tpu.memory_space<hbm>>) target(%dma_start3A_81 : memref<112x256xf32, #tpu.memory_space<vmem>>) offsets(%dma_start3A_82 : memref<112xi32, #tpu.memory_space<vmem>>) semaphore(%arg10 : memref<!tpu.dma_semaphore, #tpu.memory_space<semaphore_mem>>)
      } else {
      }
      %mul3A_56 = arith.constant 112 : i32
      %mul3A_57 = arith.muli %add3A_48, %mul3A_56 : i32
      %multiple_of3A_58 = tpu.assume_multiple %mul3A_57, 8 : i32
      %dma_wait3A_59 = arith.constant 1 : i32
      %dma_wait3A_60 = arith.constant 0 : i32
      %dma_wait3A_61 = arith.constant 0 : i32
      %dma_wait3A_62 = tpu.memref_slice %arg8[%dma_wait3A_59, %dma_wait3A_60, %dma_wait3A_61] : memref<2x112x256xf32, #tpu.memory_space<vmem>> -> memref<1x112x256xf32, #tpu.memory_space<vmem>>
      %dma_wait3A_63 = tpu.memref_squeeze %dma_wait3A_62 : memref<1x112x256xf32, #tpu.memory_space<vmem>> -> memref<112x256xf32, #tpu.memory_space<vmem>>
      %dma_wait3A_64 = tpu.memref_slice %arg6[%multiple_of3A_58] : memref<1568xi32, #tpu.memory_space<vmem>> -> memref<112xi32, #tpu.memory_space<vmem>>
      %dma_wait3A_65 = arith.constant 0 : i32
      %dma_wait3A_66 = arith.constant 0 : i32
      %dma_wait3A_67 = tpu.memref_slice %arg4[%dma_wait3A_65, %dma_wait3A_66] : memref<65536x256xf32, #tpu.memory_space<hbm>> -> memref<65536x256xf32, #tpu.memory_space<hbm>>
      tpu.wait_indirect_dma semaphore(%arg11 : memref<!tpu.dma_semaphore, #tpu.memory_space<semaphore_mem>>) src(%dma_wait3A_67 : memref<65536x256xf32, #tpu.memory_space<hbm>>) dst(%dma_wait3A_63 : memref<112x256xf32, #tpu.memory_space<vmem>>)
      %scan3A_68 = arith.constant 0 : i32
      %scan3A_69 = arith.constant 0 : i32
      %scan3A_70 = arith.constant 7 : i32
      %scan3A_71 = arith.addi %scan3A_69, %scan3A_70 : i32
      %scan3A_72 = arith.constant 1 : i32
      scf.for %scan3A_74 = %scan3A_69 to %scan3A_71 step %scan3A_72  : i32 {
        %mul3A_75 = arith.constant 112 : i32
        %mul3A_76 = arith.muli %add3A_48, %mul3A_75 : i32
        %mul3A_77 = arith.constant 16 : i32
        %mul3A_78 = arith.muli %scan3A_74, %mul3A_77 : i32
        %add3A_79 = arith.addi %mul3A_76, %mul3A_78 : i32
        %broadcast_in_dim3A = arith.constant 0.000000e+00 : f32
        %broadcast_in_dim3A_80 = vector.broadcast %broadcast_in_dim3A : f32 to vector<16xf32>
        %broadcast_in_dim3A_81 = arith.constant 0.000000e+00 : f32
        %broadcast_in_dim3A_82 = vector.broadcast %broadcast_in_dim3A_81 : f32 to vector<16xf32>
        %broadcast_in_dim3A_83 = arith.constant 0.000000e+00 : f32
        %broadcast_in_dim3A_84 = vector.broadcast %broadcast_in_dim3A_83 : f32 to vector<16xf32>
        %broadcast_in_dim3A_85 = arith.constant 0.000000e+00 : f32
        %broadcast_in_dim3A_86 = vector.broadcast %broadcast_in_dim3A_85 : f32 to vector<16xf32>
        %broadcast_in_dim3A_87 = arith.constant 0.000000e+00 : f32
        %broadcast_in_dim3A_88 = vector.broadcast %broadcast_in_dim3A_87 : f32 to vector<16xf32>
        %broadcast_in_dim3A_89 = arith.constant 0.000000e+00 : f32
        %broadcast_in_dim3A_90 = vector.broadcast %broadcast_in_dim3A_89 : f32 to vector<16xf32>
        %broadcast_in_dim3A_91 = arith.constant 0.000000e+00 : f32
        %broadcast_in_dim3A_92 = vector.broadcast %broadcast_in_dim3A_91 : f32 to vector<16xf32>
        %broadcast_in_dim3A_93 = arith.constant 0.000000e+00 : f32
        %broadcast_in_dim3A_94 = vector.broadcast %broadcast_in_dim3A_93 : f32 to vector<16xf32>
        %broadcast_in_dim3A_95 = arith.constant 0.000000e+00 : f32
        %broadcast_in_dim3A_96 = vector.broadcast %broadcast_in_dim3A_95 : f32 to vector<16xf32>
        %broadcast_in_dim3A_97 = arith.constant 0.000000e+00 : f32
        %broadcast_in_dim3A_98 = vector.broadcast %broadcast_in_dim3A_97 : f32 to vector<16xf32>
        %broadcast_in_dim3A_99 = arith.constant 0.000000e+00 : f32
        %broadcast_in_dim3A_100 = vector.broadcast %broadcast_in_dim3A_99 : f32 to vector<16xf32>
        %broadcast_in_dim3A_101 = arith.constant 0.000000e+00 : f32
        %broadcast_in_dim3A_102 = vector.broadcast %broadcast_in_dim3A_101 : f32 to vector<16xf32>
        %broadcast_in_dim3A_103 = arith.constant 0.000000e+00 : f32
        %broadcast_in_dim3A_104 = vector.broadcast %broadcast_in_dim3A_103 : f32 to vector<16xf32>
        %broadcast_in_dim3A_105 = arith.constant 0.000000e+00 : f32
        %broadcast_in_dim3A_106 = vector.broadcast %broadcast_in_dim3A_105 : f32 to vector<16xf32>
        %broadcast_in_dim3A_107 = arith.constant 0.000000e+00 : f32
        %broadcast_in_dim3A_108 = vector.broadcast %broadcast_in_dim3A_107 : f32 to vector<16xf32>
        %broadcast_in_dim3A_109 = arith.constant 0.000000e+00 : f32
        %broadcast_in_dim3A_110 = vector.broadcast %broadcast_in_dim3A_109 : f32 to vector<16xf32>
        %scan3A_111 = arith.constant 0 : i32
        %scan3A_112 = arith.constant 16 : i32
        %scan3A_113 = arith.addi %scan3A_111, %scan3A_112 : i32
        %scan3A_114 = arith.constant 1 : i32
        %scan3A_115:16 = scf.for %scan3A_199 = %scan3A_111 to %scan3A_113 step %scan3A_114 iter_args(%scan3A_200 = %broadcast_in_dim3A_80, %scan3A_201 = %broadcast_in_dim3A_82, %scan3A_202 = %broadcast_in_dim3A_84, %scan3A_203 = %broadcast_in_dim3A_86, %scan3A_204 = %broadcast_in_dim3A_88, %scan3A_205 = %broadcast_in_dim3A_90, %scan3A_206 = %broadcast_in_dim3A_92, %scan3A_207 = %broadcast_in_dim3A_94, %scan3A_208 = %broadcast_in_dim3A_96, %scan3A_209 = %broadcast_in_dim3A_98, %scan3A_210 = %broadcast_in_dim3A_100, %scan3A_211 = %broadcast_in_dim3A_102, %scan3A_212 = %broadcast_in_dim3A_104, %scan3A_213 = %broadcast_in_dim3A_106, %scan3A_214 = %broadcast_in_dim3A_108, %scan3A_215 = %broadcast_in_dim3A_110) -> (vector<16xf32>, vector<16xf32>, vector<16xf32>, vector<16xf32>, vector<16xf32>, vector<16xf32>, vector<16xf32>, vector<16xf32>, vector<16xf32>, vector<16xf32>, vector<16xf32>, vector<16xf32>, vector<16xf32>, vector<16xf32>, vector<16xf32>, vector<16xf32>)  : i32 {
          %add3A_216 = arith.addi %add3A_79, %scan3A_199 : i32
          %mul3A_217 = arith.constant 16 : i32
          %mul3A_218 = arith.muli %add3A_216, %mul3A_217 : i32
          %multiple_of3A_219 = tpu.assume_multiple %mul3A_218, 16 : i32
          %get3A = arith.index_cast %multiple_of3A_219 : i32 to index
          %get3A_220 = tpu.vector_load %arg7[%get3A] {strides = array<i32>} : memref<25088xf32, #tpu.memory_space<vmem>>, vector<16xf32>,
          %get3A_221 = vector.shape_cast %get3A_220 : vector<16xf32> to vector<16xf32>
          %mul3A_222 = arith.constant 16 : i32
          %mul3A_223 = arith.muli %scan3A_74, %mul3A_222 : i32
          %add3A_224 = arith.addi %mul3A_223, %scan3A_199 : i32
          %get3A_225 = arith.constant 1 : i32
          %get3A_226 = arith.index_cast %get3A_225 : i32 to index
          %get3A_227 = arith.index_cast %add3A_224 : i32 to index
          %get3A_228 = arith.constant 0 : index
          %get3A_229 = tpu.vector_load %arg8[%get3A_226, %get3A_227, %get3A_228] {strides = array<i32>} : memref<2x112x256xf32, #tpu.memory_space<vmem>>, vector<1x1x16xf32>,
          %get3A_230 = vector.shape_cast %get3A_229 : vector<1x1x16xf32> to vector<16xf32>
          %mul3A_231 = arith.mulf %get3A_221, %get3A_230 : vector<16xf32>
          %add3A_232 = arith.addf %scan3A_200, %mul3A_231 : vector<16xf32>
          %get3A_233 = arith.constant 1 : i32
          %get3A_234 = arith.index_cast %get3A_233 : i32 to index
          %get3A_235 = arith.index_cast %add3A_224 : i32 to index
          %get3A_236 = arith.constant 16 : index
          %get3A_237 = tpu.vector_load %arg8[%get3A_234, %get3A_235, %get3A_236] {strides = array<i32>} : memref<2x112x256xf32, #tpu.memory_space<vmem>>, vector<1x1x16xf32>,
          %get3A_238 = vector.shape_cast %get3A_237 : vector<1x1x16xf32> to vector<16xf32>
          %mul3A_239 = arith.mulf %get3A_221, %get3A_238 : vector<16xf32>
          %add3A_240 = arith.addf %scan3A_201, %mul3A_239 : vector<16xf32>
          %get3A_241 = arith.constant 1 : i32
          %get3A_242 = arith.index_cast %get3A_241 : i32 to index
          %get3A_243 = arith.index_cast %add3A_224 : i32 to index
          %get3A_244 = arith.constant 32 : index
          %get3A_245 = tpu.vector_load %arg8[%get3A_242, %get3A_243, %get3A_244] {strides = array<i32>} : memref<2x112x256xf32, #tpu.memory_space<vmem>>, vector<1x1x16xf32>,
          %get3A_246 = vector.shape_cast %get3A_245 : vector<1x1x16xf32> to vector<16xf32>
          %mul3A_247 = arith.mulf %get3A_221, %get3A_246 : vector<16xf32>
          %add3A_248 = arith.addf %scan3A_202, %mul3A_247 : vector<16xf32>
          %get3A_249 = arith.constant 1 : i32
          %get3A_250 = arith.index_cast %get3A_249 : i32 to index
          %get3A_251 = arith.index_cast %add3A_224 : i32 to index
          %get3A_252 = arith.constant 48 : index
          %get3A_253 = tpu.vector_load %arg8[%get3A_250, %get3A_251, %get3A_252] {strides = array<i32>} : memref<2x112x256xf32, #tpu.memory_space<vmem>>, vector<1x1x16xf32>,
          %get3A_254 = vector.shape_cast %get3A_253 : vector<1x1x16xf32> to vector<16xf32>
          %mul3A_255 = arith.mulf %get3A_221, %get3A_254 : vector<16xf32>
          %add3A_256 = arith.addf %scan3A_203, %mul3A_255 : vector<16xf32>
          %get3A_257 = arith.constant 1 : i32
          %get3A_258 = arith.index_cast %get3A_257 : i32 to index
          %get3A_259 = arith.index_cast %add3A_224 : i32 to index
          %get3A_260 = arith.constant 64 : index
          %get3A_261 = tpu.vector_load %arg8[%get3A_258, %get3A_259, %get3A_260] {strides = array<i32>} : memref<2x112x256xf32, #tpu.memory_space<vmem>>, vector<1x1x16xf32>,
          %get3A_262 = vector.shape_cast %get3A_261 : vector<1x1x16xf32> to vector<16xf32>
          %mul3A_263 = arith.mulf %get3A_221, %get3A_262 : vector<16xf32>
          %add3A_264 = arith.addf %scan3A_204, %mul3A_263 : vector<16xf32>
          %get3A_265 = arith.constant 1 : i32
          %get3A_266 = arith.index_cast %get3A_265 : i32 to index
          %get3A_267 = arith.index_cast %add3A_224 : i32 to index
          %get3A_268 = arith.constant 80 : index
          %get3A_269 = tpu.vector_load %arg8[%get3A_266, %get3A_267, %get3A_268] {strides = array<i32>} : memref<2x112x256xf32, #tpu.memory_space<vmem>>, vector<1x1x16xf32>,
          %get3A_270 = vector.shape_cast %get3A_269 : vector<1x1x16xf32> to vector<16xf32>
          %mul3A_271 = arith.mulf %get3A_221, %get3A_270 : vector<16xf32>
          %add3A_272 = arith.addf %scan3A_205, %mul3A_271 : vector<16xf32>
          %get3A_273 = arith.constant 1 : i32
          %get3A_274 = arith.index_cast %get3A_273 : i32 to index
          %get3A_275 = arith.index_cast %add3A_224 : i32 to index
          %get3A_276 = arith.constant 96 : index
          %get3A_277 = tpu.vector_load %arg8[%get3A_274, %get3A_275, %get3A_276] {strides = array<i32>} : memref<2x112x256xf32, #tpu.memory_space<vmem>>, vector<1x1x16xf32>,
          %get3A_278 = vector.shape_cast %get3A_277 : vector<1x1x16xf32> to vector<16xf32>
          %mul3A_279 = arith.mulf %get3A_221, %get3A_278 : vector<16xf32>
          %add3A_280 = arith.addf %scan3A_206, %mul3A_279 : vector<16xf32>
          %get3A_281 = arith.constant 1 : i32
          %get3A_282 = arith.index_cast %get3A_281 : i32 to index
          %get3A_283 = arith.index_cast %add3A_224 : i32 to index
          %get3A_284 = arith.constant 112 : index
          %get3A_285 = tpu.vector_load %arg8[%get3A_282, %get3A_283, %get3A_284] {strides = array<i32>} : memref<2x112x256xf32, #tpu.memory_space<vmem>>, vector<1x1x16xf32>,
          %get3A_286 = vector.shape_cast %get3A_285 : vector<1x1x16xf32> to vector<16xf32>
          %mul3A_287 = arith.mulf %get3A_221, %get3A_286 : vector<16xf32>
          %add3A_288 = arith.addf %scan3A_207, %mul3A_287 : vector<16xf32>
          %get3A_289 = arith.constant 1 : i32
          %get3A_290 = arith.index_cast %get3A_289 : i32 to index
          %get3A_291 = arith.index_cast %add3A_224 : i32 to index
          %get3A_292 = arith.constant 128 : index
          %get3A_293 = tpu.vector_load %arg8[%get3A_290, %get3A_291, %get3A_292] {strides = array<i32>} : memref<2x112x256xf32, #tpu.memory_space<vmem>>, vector<1x1x16xf32>,
          %get3A_294 = vector.shape_cast %get3A_293 : vector<1x1x16xf32> to vector<16xf32>
          %mul3A_295 = arith.mulf %get3A_221, %get3A_294 : vector<16xf32>
          %add3A_296 = arith.addf %scan3A_208, %mul3A_295 : vector<16xf32>
          %get3A_297 = arith.constant 1 : i32
          %get3A_298 = arith.index_cast %get3A_297 : i32 to index
          %get3A_299 = arith.index_cast %add3A_224 : i32 to index
          %get3A_300 = arith.constant 144 : index
          %get3A_301 = tpu.vector_load %arg8[%get3A_298, %get3A_299, %get3A_300] {strides = array<i32>} : memref<2x112x256xf32, #tpu.memory_space<vmem>>, vector<1x1x16xf32>,
          %get3A_302 = vector.shape_cast %get3A_301 : vector<1x1x16xf32> to vector<16xf32>
          %mul3A_303 = arith.mulf %get3A_221, %get3A_302 : vector<16xf32>
          %add3A_304 = arith.addf %scan3A_209, %mul3A_303 : vector<16xf32>
          %get3A_305 = arith.constant 1 : i32
          %get3A_306 = arith.index_cast %get3A_305 : i32 to index
          %get3A_307 = arith.index_cast %add3A_224 : i32 to index
          %get3A_308 = arith.constant 160 : index
          %get3A_309 = tpu.vector_load %arg8[%get3A_306, %get3A_307, %get3A_308] {strides = array<i32>} : memref<2x112x256xf32, #tpu.memory_space<vmem>>, vector<1x1x16xf32>,
          %get3A_310 = vector.shape_cast %get3A_309 : vector<1x1x16xf32> to vector<16xf32>
          %mul3A_311 = arith.mulf %get3A_221, %get3A_310 : vector<16xf32>
          %add3A_312 = arith.addf %scan3A_210, %mul3A_311 : vector<16xf32>
          %get3A_313 = arith.constant 1 : i32
          %get3A_314 = arith.index_cast %get3A_313 : i32 to index
          %get3A_315 = arith.index_cast %add3A_224 : i32 to index
          %get3A_316 = arith.constant 176 : index
          %get3A_317 = tpu.vector_load %arg8[%get3A_314, %get3A_315, %get3A_316] {strides = array<i32>} : memref<2x112x256xf32, #tpu.memory_space<vmem>>, vector<1x1x16xf32>,
          %get3A_318 = vector.shape_cast %get3A_317 : vector<1x1x16xf32> to vector<16xf32>
          %mul3A_319 = arith.mulf %get3A_221, %get3A_318 : vector<16xf32>
          %add3A_320 = arith.addf %scan3A_211, %mul3A_319 : vector<16xf32>
          %get3A_321 = arith.constant 1 : i32
          %get3A_322 = arith.index_cast %get3A_321 : i32 to index
          %get3A_323 = arith.index_cast %add3A_224 : i32 to index
          %get3A_324 = arith.constant 192 : index
          %get3A_325 = tpu.vector_load %arg8[%get3A_322, %get3A_323, %get3A_324] {strides = array<i32>} : memref<2x112x256xf32, #tpu.memory_space<vmem>>, vector<1x1x16xf32>,
          %get3A_326 = vector.shape_cast %get3A_325 : vector<1x1x16xf32> to vector<16xf32>
          %mul3A_327 = arith.mulf %get3A_221, %get3A_326 : vector<16xf32>
          %add3A_328 = arith.addf %scan3A_212, %mul3A_327 : vector<16xf32>
          %get3A_329 = arith.constant 1 : i32
          %get3A_330 = arith.index_cast %get3A_329 : i32 to index
          %get3A_331 = arith.index_cast %add3A_224 : i32 to index
          %get3A_332 = arith.constant 208 : index
          %get3A_333 = tpu.vector_load %arg8[%get3A_330, %get3A_331, %get3A_332] {strides = array<i32>} : memref<2x112x256xf32, #tpu.memory_space<vmem>>, vector<1x1x16xf32>,
          %get3A_334 = vector.shape_cast %get3A_333 : vector<1x1x16xf32> to vector<16xf32>
          %mul3A_335 = arith.mulf %get3A_221, %get3A_334 : vector<16xf32>
          %add3A_336 = arith.addf %scan3A_213, %mul3A_335 : vector<16xf32>
          %get3A_337 = arith.constant 1 : i32
          %get3A_338 = arith.index_cast %get3A_337 : i32 to index
          %get3A_339 = arith.index_cast %add3A_224 : i32 to index
          %get3A_340 = arith.constant 224 : index
          %get3A_341 = tpu.vector_load %arg8[%get3A_338, %get3A_339, %get3A_340] {strides = array<i32>} : memref<2x112x256xf32, #tpu.memory_space<vmem>>, vector<1x1x16xf32>,
          %get3A_342 = vector.shape_cast %get3A_341 : vector<1x1x16xf32> to vector<16xf32>
          %mul3A_343 = arith.mulf %get3A_221, %get3A_342 : vector<16xf32>
          %add3A_344 = arith.addf %scan3A_214, %mul3A_343 : vector<16xf32>
          %get3A_345 = arith.constant 1 : i32
          %get3A_346 = arith.index_cast %get3A_345 : i32 to index
          %get3A_347 = arith.index_cast %add3A_224 : i32 to index
          %get3A_348 = arith.constant 240 : index
          %get3A_349 = tpu.vector_load %arg8[%get3A_346, %get3A_347, %get3A_348] {strides = array<i32>} : memref<2x112x256xf32, #tpu.memory_space<vmem>>, vector<1x1x16xf32>,
          %get3A_350 = vector.shape_cast %get3A_349 : vector<1x1x16xf32> to vector<16xf32>
          %mul3A_351 = arith.mulf %get3A_221, %get3A_350 : vector<16xf32>
          %add3A_352 = arith.addf %scan3A_215, %mul3A_351 : vector<16xf32>
          scf.yield %add3A_232, %add3A_240, %add3A_248, %add3A_256, %add3A_264, %add3A_272, %add3A_280, %add3A_288, %add3A_296, %add3A_304, %add3A_312, %add3A_320, %add3A_328, %add3A_336, %add3A_344, %add3A_352 : vector<16xf32>, vector<16xf32>, vector<16xf32>, vector<16xf32>, vector<16xf32>, vector<16xf32>, vector<16xf32>, vector<16xf32>, vector<16xf32>, vector<16xf32>, vector<16xf32>, vector<16xf32>, vector<16xf32>, vector<16xf32>, vector<16xf32>, vector<16xf32>
        }
        %scan3A_116 = arith.constant 16 : i32
        %mul3A_117 = arith.constant 7 : i32
        %mul3A_118 = arith.muli %add3A_48, %mul3A_117 : i32
        %add3A_119 = arith.addi %mul3A_118, %scan3A_74 : i32
        %swap3A = arith.index_cast %add3A_119 : i32 to index
        %swap3A_120 = arith.constant 0 : index
        %swap3A_121 = tpu.vector_load %arg9[%swap3A, %swap3A_120] {strides = array<i32>} : memref<98x256xf32, #tpu.memory_space<vmem>>, vector<1x16xf32>,
        %swap3A_122 = vector.shape_cast %swap3A_121 : vector<1x16xf32> to vector<16xf32>
        %swap3A_123 = vector.shape_cast %scan3A_115#0 : vector<16xf32> to vector<1x16xf32>
        tpu.vector_store %arg9[%swap3A, %swap3A_120], %swap3A_123 {strides = array<i32>} : memref<98x256xf32, #tpu.memory_space<vmem>>, vector<1x16xf32>,
        %swap3A_124 = arith.index_cast %add3A_119 : i32 to index
        %swap3A_125 = arith.constant 16 : index
        %swap3A_126 = tpu.vector_load %arg9[%swap3A_124, %swap3A_125] {strides = array<i32>} : memref<98x256xf32, #tpu.memory_space<vmem>>, vector<1x16xf32>,
        %swap3A_127 = vector.shape_cast %swap3A_126 : vector<1x16xf32> to vector<16xf32>
        %swap3A_128 = vector.shape_cast %scan3A_115#1 : vector<16xf32> to vector<1x16xf32>
        tpu.vector_store %arg9[%swap3A_124, %swap3A_125], %swap3A_128 {strides = array<i32>} : memref<98x256xf32, #tpu.memory_space<vmem>>, vector<1x16xf32>,
        %swap3A_129 = arith.index_cast %add3A_119 : i32 to index
        %swap3A_130 = arith.constant 32 : index
        %swap3A_131 = tpu.vector_load %arg9[%swap3A_129, %swap3A_130] {strides = array<i32>} : memref<98x256xf32, #tpu.memory_space<vmem>>, vector<1x16xf32>,
        %swap3A_132 = vector.shape_cast %swap3A_131 : vector<1x16xf32> to vector<16xf32>
        %swap3A_133 = vector.shape_cast %scan3A_115#2 : vector<16xf32> to vector<1x16xf32>
        tpu.vector_store %arg9[%swap3A_129, %swap3A_130], %swap3A_133 {strides = array<i32>} : memref<98x256xf32, #tpu.memory_space<vmem>>, vector<1x16xf32>,
        %swap3A_134 = arith.index_cast %add3A_119 : i32 to index
        %swap3A_135 = arith.constant 48 : index
        %swap3A_136 = tpu.vector_load %arg9[%swap3A_134, %swap3A_135] {strides = array<i32>} : memref<98x256xf32, #tpu.memory_space<vmem>>, vector<1x16xf32>,
        %swap3A_137 = vector.shape_cast %swap3A_136 : vector<1x16xf32> to vector<16xf32>
        %swap3A_138 = vector.shape_cast %scan3A_115#3 : vector<16xf32> to vector<1x16xf32>
        tpu.vector_store %arg9[%swap3A_134, %swap3A_135], %swap3A_138 {strides = array<i32>} : memref<98x256xf32, #tpu.memory_space<vmem>>, vector<1x16xf32>,
        %swap3A_139 = arith.index_cast %add3A_119 : i32 to index
        %swap3A_140 = arith.constant 64 : index
        %swap3A_141 = tpu.vector_load %arg9[%swap3A_139, %swap3A_140] {strides = array<i32>} : memref<98x256xf32, #tpu.memory_space<vmem>>, vector<1x16xf32>,
        %swap3A_142 = vector.shape_cast %swap3A_141 : vector<1x16xf32> to vector<16xf32>
        %swap3A_143 = vector.shape_cast %scan3A_115#4 : vector<16xf32> to vector<1x16xf32>
        tpu.vector_store %arg9[%swap3A_139, %swap3A_140], %swap3A_143 {strides = array<i32>} : memref<98x256xf32, #tpu.memory_space<vmem>>, vector<1x16xf32>,
        %swap3A_144 = arith.index_cast %add3A_119 : i32 to index
        %swap3A_145 = arith.constant 80 : index
        %swap3A_146 = tpu.vector_load %arg9[%swap3A_144, %swap3A_145] {strides = array<i32>} : memref<98x256xf32, #tpu.memory_space<vmem>>, vector<1x16xf32>,
        %swap3A_147 = vector.shape_cast %swap3A_146 : vector<1x16xf32> to vector<16xf32>
        %swap3A_148 = vector.shape_cast %scan3A_115#5 : vector<16xf32> to vector<1x16xf32>
        tpu.vector_store %arg9[%swap3A_144, %swap3A_145], %swap3A_148 {strides = array<i32>} : memref<98x256xf32, #tpu.memory_space<vmem>>, vector<1x16xf32>,
        %swap3A_149 = arith.index_cast %add3A_119 : i32 to index
        %swap3A_150 = arith.constant 96 : index
        %swap3A_151 = tpu.vector_load %arg9[%swap3A_149, %swap3A_150] {strides = array<i32>} : memref<98x256xf32, #tpu.memory_space<vmem>>, vector<1x16xf32>,
        %swap3A_152 = vector.shape_cast %swap3A_151 : vector<1x16xf32> to vector<16xf32>
        %swap3A_153 = vector.shape_cast %scan3A_115#6 : vector<16xf32> to vector<1x16xf32>
        tpu.vector_store %arg9[%swap3A_149, %swap3A_150], %swap3A_153 {strides = array<i32>} : memref<98x256xf32, #tpu.memory_space<vmem>>, vector<1x16xf32>,
        %swap3A_154 = arith.index_cast %add3A_119 : i32 to index
        %swap3A_155 = arith.constant 112 : index
        %swap3A_156 = tpu.vector_load %arg9[%swap3A_154, %swap3A_155] {strides = array<i32>} : memref<98x256xf32, #tpu.memory_space<vmem>>, vector<1x16xf32>,
        %swap3A_157 = vector.shape_cast %swap3A_156 : vector<1x16xf32> to vector<16xf32>
        %swap3A_158 = vector.shape_cast %scan3A_115#7 : vector<16xf32> to vector<1x16xf32>
        tpu.vector_store %arg9[%swap3A_154, %swap3A_155], %swap3A_158 {strides = array<i32>} : memref<98x256xf32, #tpu.memory_space<vmem>>, vector<1x16xf32>,
        %swap3A_159 = arith.index_cast %add3A_119 : i32 to index
        %swap3A_160 = arith.constant 128 : index
        %swap3A_161 = tpu.vector_load %arg9[%swap3A_159, %swap3A_160] {strides = array<i32>} : memref<98x256xf32, #tpu.memory_space<vmem>>, vector<1x16xf32>,
        %swap3A_162 = vector.shape_cast %swap3A_161 : vector<1x16xf32> to vector<16xf32>
        %swap3A_163 = vector.shape_cast %scan3A_115#8 : vector<16xf32> to vector<1x16xf32>
        tpu.vector_store %arg9[%swap3A_159, %swap3A_160], %swap3A_163 {strides = array<i32>} : memref<98x256xf32, #tpu.memory_space<vmem>>, vector<1x16xf32>,
        %swap3A_164 = arith.index_cast %add3A_119 : i32 to index
        %swap3A_165 = arith.constant 144 : index
        %swap3A_166 = tpu.vector_load %arg9[%swap3A_164, %swap3A_165] {strides = array<i32>} : memref<98x256xf32, #tpu.memory_space<vmem>>, vector<1x16xf32>,
        %swap3A_167 = vector.shape_cast %swap3A_166 : vector<1x16xf32> to vector<16xf32>
        %swap3A_168 = vector.shape_cast %scan3A_115#9 : vector<16xf32> to vector<1x16xf32>
        tpu.vector_store %arg9[%swap3A_164, %swap3A_165], %swap3A_168 {strides = array<i32>} : memref<98x256xf32, #tpu.memory_space<vmem>>, vector<1x16xf32>,
        %swap3A_169 = arith.index_cast %add3A_119 : i32 to index
        %swap3A_170 = arith.constant 160 : index
        %swap3A_171 = tpu.vector_load %arg9[%swap3A_169, %swap3A_170] {strides = array<i32>} : memref<98x256xf32, #tpu.memory_space<vmem>>, vector<1x16xf32>,
        %swap3A_172 = vector.shape_cast %swap3A_171 : vector<1x16xf32> to vector<16xf32>
        %swap3A_173 = vector.shape_cast %scan3A_115#10 : vector<16xf32> to vector<1x16xf32>
        tpu.vector_store %arg9[%swap3A_169, %swap3A_170], %swap3A_173 {strides = array<i32>} : memref<98x256xf32, #tpu.memory_space<vmem>>, vector<1x16xf32>,
        %swap3A_174 = arith.index_cast %add3A_119 : i32 to index
        %swap3A_175 = arith.constant 176 : index
        %swap3A_176 = tpu.vector_load %arg9[%swap3A_174, %swap3A_175] {strides = array<i32>} : memref<98x256xf32, #tpu.memory_space<vmem>>, vector<1x16xf32>,
        %swap3A_177 = vector.shape_cast %swap3A_176 : vector<1x16xf32> to vector<16xf32>
        %swap3A_178 = vector.shape_cast %scan3A_115#11 : vector<16xf32> to vector<1x16xf32>
        tpu.vector_store %arg9[%swap3A_174, %swap3A_175], %swap3A_178 {strides = array<i32>} : memref<98x256xf32, #tpu.memory_space<vmem>>, vector<1x16xf32>,
        %swap3A_179 = arith.index_cast %add3A_119 : i32 to index
        %swap3A_180 = arith.constant 192 : index
        %swap3A_181 = tpu.vector_load %arg9[%swap3A_179, %swap3A_180] {strides = array<i32>} : memref<98x256xf32, #tpu.memory_space<vmem>>, vector<1x16xf32>,
        %swap3A_182 = vector.shape_cast %swap3A_181 : vector<1x16xf32> to vector<16xf32>
        %swap3A_183 = vector.shape_cast %scan3A_115#12 : vector<16xf32> to vector<1x16xf32>
        tpu.vector_store %arg9[%swap3A_179, %swap3A_180], %swap3A_183 {strides = array<i32>} : memref<98x256xf32, #tpu.memory_space<vmem>>, vector<1x16xf32>,
        %swap3A_184 = arith.index_cast %add3A_119 : i32 to index
        %swap3A_185 = arith.constant 208 : index
        %swap3A_186 = tpu.vector_load %arg9[%swap3A_184, %swap3A_185] {strides = array<i32>} : memref<98x256xf32, #tpu.memory_space<vmem>>, vector<1x16xf32>,
        %swap3A_187 = vector.shape_cast %swap3A_186 : vector<1x16xf32> to vector<16xf32>
        %swap3A_188 = vector.shape_cast %scan3A_115#13 : vector<16xf32> to vector<1x16xf32>
        tpu.vector_store %arg9[%swap3A_184, %swap3A_185], %swap3A_188 {strides = array<i32>} : memref<98x256xf32, #tpu.memory_space<vmem>>, vector<1x16xf32>,
        %swap3A_189 = arith.index_cast %add3A_119 : i32 to index
        %swap3A_190 = arith.constant 224 : index
        %swap3A_191 = tpu.vector_load %arg9[%swap3A_189, %swap3A_190] {strides = array<i32>} : memref<98x256xf32, #tpu.memory_space<vmem>>, vector<1x16xf32>,
        %swap3A_192 = vector.shape_cast %swap3A_191 : vector<1x16xf32> to vector<16xf32>
        %swap3A_193 = vector.shape_cast %scan3A_115#14 : vector<16xf32> to vector<1x16xf32>
        tpu.vector_store %arg9[%swap3A_189, %swap3A_190], %swap3A_193 {strides = array<i32>} : memref<98x256xf32, #tpu.memory_space<vmem>>, vector<1x16xf32>,
        %swap3A_194 = arith.index_cast %add3A_119 : i32 to index
        %swap3A_195 = arith.constant 240 : index
        %swap3A_196 = tpu.vector_load %arg9[%swap3A_194, %swap3A_195] {strides = array<i32>} : memref<98x256xf32, #tpu.memory_space<vmem>>, vector<1x16xf32>,
        %swap3A_197 = vector.shape_cast %swap3A_196 : vector<1x16xf32> to vector<16xf32>
        %swap3A_198 = vector.shape_cast %scan3A_115#15 : vector<16xf32> to vector<1x16xf32>
        tpu.vector_store %arg9[%swap3A_194, %swap3A_195], %swap3A_198 {strides = array<i32>} : memref<98x256xf32, #tpu.memory_space<vmem>>, vector<1x16xf32>,
      }
      %scan3A_73 = arith.constant 7 : i32
    }
    %scan3A_18 = arith.constant 7 : i32
    "tpu.region"() ({
      %run_scoped3A = tpu.sem_alloc : memref<!tpu.dma_semaphore, #tpu.memory_space<semaphore_mem>>
      %dma_start3A_19 = arith.constant 0 : i32
      %dma_start3A_20 = arith.constant 0 : i32
      %dma_start3A_21 = tpu.memref_slice %arg5[%add3A, %dma_start3A_19, %dma_start3A_20] : memref<32x98x256xf32, #tpu.memory_space<hbm>> -> memref<1x98x256xf32, #tpu.memory_space<hbm>>
      %dma_start3A_22 = tpu.memref_squeeze %dma_start3A_21 : memref<1x98x256xf32, #tpu.memory_space<hbm>> -> memref<98x256xf32, #tpu.memory_space<hbm>>
      %dma_start3A_23 = arith.constant 0 : i32
      %dma_start3A_24 = arith.constant 0 : i32
      %dma_start3A_25 = tpu.memref_slice %arg5[%add3A, %dma_start3A_23, %dma_start3A_24] : memref<32x98x256xf32, #tpu.memory_space<hbm>> -> memref<1x98x256xf32, #tpu.memory_space<hbm>>
      %dma_start3A_26 = tpu.memref_squeeze %dma_start3A_25 : memref<1x98x256xf32, #tpu.memory_space<hbm>> -> memref<98x256xf32, #tpu.memory_space<hbm>>
      tpu.enqueue_dma source(%arg9 : memref<98x256xf32, #tpu.memory_space<vmem>>) target(%dma_start3A_26 : memref<98x256xf32, #tpu.memory_space<hbm>>) target_semaphore(%run_scoped3A : memref<!tpu.dma_semaphore, #tpu.memory_space<semaphore_mem>>)
      %dma_wait3A = arith.constant 0 : i32
      %dma_wait3A_27 = arith.constant 0 : i32
      %dma_wait3A_28 = tpu.memref_slice %arg5[%add3A, %dma_wait3A, %dma_wait3A_27] : memref<32x98x256xf32, #tpu.memory_space<hbm>> -> memref<1x98x256xf32, #tpu.memory_space<hbm>>
      %dma_wait3A_29 = tpu.memref_squeeze %dma_wait3A_28 : memref<1x98x256xf32, #tpu.memory_space<hbm>> -> memref<98x256xf32, #tpu.memory_space<hbm>>
      %dma_wait3A_30 = arith.constant 0 : i32
      %dma_wait3A_31 = arith.constant 0 : i32
      %dma_wait3A_32 = tpu.memref_slice %arg5[%add3A, %dma_wait3A_30, %dma_wait3A_31] : memref<32x98x256xf32, #tpu.memory_space<hbm>> -> memref<1x98x256xf32, #tpu.memory_space<hbm>>
      %dma_wait3A_33 = tpu.memref_squeeze %dma_wait3A_32 : memref<1x98x256xf32, #tpu.memory_space<hbm>> -> memref<98x256xf32, #tpu.memory_space<hbm>>
      tpu.wait_dma2 semaphore(%run_scoped3A : memref<!tpu.dma_semaphore, #tpu.memory_space<semaphore_mem>>) src(%arg9 : memref<98x256xf32, #tpu.memory_space<vmem>>) dst(%dma_wait3A_33 : memref<98x256xf32, #tpu.memory_space<hbm>>)
      tpu.yield
    }) : () -> ()
    return
  }
}

module attributes {stable_mosaic.version = 14 : i64} {
  func.func @_wt_kernel(%arg0: memref<64x5xf32, #tpu.memory_space<vmem>>, %arg1: memref<64x98xf32, #tpu.memory_space<vmem>>, %arg2: memref<64x49x16xi32, #tpu.memory_space<vmem>>, %arg3: memref<64x49x256xf32, #tpu.memory_space<vmem>>) attributes {dimension_semantics = [], scalar_prefetch = 0 : i64, scratch_operands = 0 : i64, tpu.core_type = #tpu.core_type<tc>} {
    %get3A = arith.constant 0 : index
    %get3A_0 = arith.constant 0 : index
    %get3A_1 = vector.load %arg0[%get3A, %get3A_0] : memref<64x5xf32, #tpu.memory_space<vmem>>, vector<64x5xf32>
    %get3A_2 = arith.constant 0 : index
    %get3A_3 = arith.constant 0 : index
    %get3A_4 = vector.load %arg1[%get3A_2, %get3A_3] : memref<64x98xf32, #tpu.memory_space<vmem>>, vector<64x98xf32>
    %slice3A = vector.extract_strided_slice %get3A_1 {offsets = [0, 0], sizes = [64, 1], strides = [1, 1]} : vector<64x5xf32> to vector<64x1xf32>
    %convert_element_type3A = arith.fptosi %slice3A : vector<64x1xf32> to vector<64x1xi32>
    %slice3A_5 = vector.extract_strided_slice %get3A_1 {offsets = [0, 1], sizes = [64, 1], strides = [1, 1]} : vector<64x5xf32> to vector<64x1xf32>
    %round3A = math.roundeven %slice3A_5 : vector<64x1xf32>
    %mul3A = arith.constant 6.250000e-02 : f32
    %mul3A_6 = vector.broadcast %mul3A : f32 to vector<64x1xf32>
    %mul3A_7 = arith.mulf %round3A, %mul3A_6 : vector<64x1xf32>
    %sub3A = arith.constant 5.000000e-01 : f32
    %sub3A_8 = vector.broadcast %sub3A : f32 to vector<64x1xf32>
    %sub3A_9 = arith.subf %mul3A_7, %sub3A_8 : vector<64x1xf32>
    %slice3A_10 = vector.extract_strided_slice %get3A_1 {offsets = [0, 2], sizes = [64, 1], strides = [1, 1]} : vector<64x5xf32> to vector<64x1xf32>
    %round3A_11 = math.roundeven %slice3A_10 : vector<64x1xf32>
    %mul3A_12 = arith.constant 6.250000e-02 : f32
    %mul3A_13 = vector.broadcast %mul3A_12 : f32 to vector<64x1xf32>
    %mul3A_14 = arith.mulf %round3A_11, %mul3A_13 : vector<64x1xf32>
    %sub3A_15 = arith.constant 5.000000e-01 : f32
    %sub3A_16 = vector.broadcast %sub3A_15 : f32 to vector<64x1xf32>
    %sub3A_17 = arith.subf %mul3A_14, %sub3A_16 : vector<64x1xf32>
    %slice3A_18 = vector.extract_strided_slice %get3A_1 {offsets = [0, 3], sizes = [64, 1], strides = [1, 1]} : vector<64x5xf32> to vector<64x1xf32>
    %round3A_19 = math.roundeven %slice3A_18 : vector<64x1xf32>
    %add3A = arith.constant 1.000000e+00 : f32
    %add3A_20 = vector.broadcast %add3A : f32 to vector<64x1xf32>
    %add3A_21 = arith.addf %round3A_19, %add3A_20 : vector<64x1xf32>
    %mul3A_22 = arith.constant 6.250000e-02 : f32
    %mul3A_23 = vector.broadcast %mul3A_22 : f32 to vector<64x1xf32>
    %mul3A_24 = arith.mulf %add3A_21, %mul3A_23 : vector<64x1xf32>
    %sub3A_25 = arith.constant 5.000000e-01 : f32
    %sub3A_26 = vector.broadcast %sub3A_25 : f32 to vector<64x1xf32>
    %sub3A_27 = arith.subf %mul3A_24, %sub3A_26 : vector<64x1xf32>
    %slice3A_28 = vector.extract_strided_slice %get3A_1 {offsets = [0, 4], sizes = [64, 1], strides = [1, 1]} : vector<64x5xf32> to vector<64x1xf32>
    %round3A_29 = math.roundeven %slice3A_28 : vector<64x1xf32>
    %add3A_30 = arith.constant 1.000000e+00 : f32
    %add3A_31 = vector.broadcast %add3A_30 : f32 to vector<64x1xf32>
    %add3A_32 = arith.addf %round3A_29, %add3A_31 : vector<64x1xf32>
    %mul3A_33 = arith.constant 6.250000e-02 : f32
    %mul3A_34 = vector.broadcast %mul3A_33 : f32 to vector<64x1xf32>
    %mul3A_35 = arith.mulf %add3A_32, %mul3A_34 : vector<64x1xf32>
    %sub3A_36 = arith.constant 5.000000e-01 : f32
    %sub3A_37 = vector.broadcast %sub3A_36 : f32 to vector<64x1xf32>
    %sub3A_38 = arith.subf %mul3A_35, %sub3A_37 : vector<64x1xf32>
    %sub3A_39 = arith.subf %sub3A_27, %sub3A_9 : vector<64x1xf32>
    %max3A = arith.constant 1.000000e-01 : f32
    %max3A_40 = vector.broadcast %max3A : f32 to vector<64x1xf32>
    %max3A_41 = arith.maximumf %sub3A_39, %max3A_40 : vector<64x1xf32>
    %sub3A_42 = arith.subf %sub3A_38, %sub3A_17 : vector<64x1xf32>
    %max3A_43 = arith.constant 1.000000e-01 : f32
    %max3A_44 = vector.broadcast %max3A_43 : f32 to vector<64x1xf32>
    %max3A_45 = arith.maximumf %sub3A_42, %max3A_44 : vector<64x1xf32>
    %div3A = arith.constant 7.000000e+00 : f32
    %div3A_46 = vector.broadcast %div3A : f32 to vector<64x1xf32>
    %div3A_47 = arith.divf %max3A_41, %div3A_46 : vector<64x1xf32>
    %div3A_48 = arith.constant 7.000000e+00 : f32
    %div3A_49 = vector.broadcast %div3A_48 : f32 to vector<64x1xf32>
    %div3A_50 = arith.divf %max3A_45, %div3A_49 : vector<64x1xf32>
    %div3A_51 = arith.constant 2.000000e+00 : f32
    %div3A_52 = vector.broadcast %div3A_51 : f32 to vector<64x1xf32>
    %div3A_53 = arith.divf %div3A_47, %div3A_52 : vector<64x1xf32>
    %div3A_54 = arith.constant 2.000000e+00 : f32
    %div3A_55 = vector.broadcast %div3A_54 : f32 to vector<64x1xf32>
    %div3A_56 = arith.divf %div3A_50, %div3A_55 : vector<64x1xf32>
    %iota3A = tpu.iota {dimensions = array<i32: 1>} : vector<64x49xi32>
    %convert_element_type3A_57 = arith.sitofp %iota3A : vector<64x49xi32> to vector<64x49xf32>
    %div3A_58 = arith.constant 7.000000e+00 : f32
    %div3A_59 = vector.broadcast %div3A_58 : f32 to vector<64x49xf32>
    %div3A_60 = arith.divf %convert_element_type3A_57, %div3A_59 : vector<64x49xf32>
    %floor3A = math.floor %div3A_60 : vector<64x49xf32>
    %mul3A_61 = arith.constant 7.000000e+00 : f32
    %mul3A_62 = vector.broadcast %mul3A_61 : f32 to vector<64x49xf32>
    %mul3A_63 = arith.mulf %mul3A_62, %floor3A : vector<64x49xf32>
    %sub3A_64 = arith.subf %convert_element_type3A_57, %mul3A_63 : vector<64x49xf32>
    %slice3A_65 = vector.extract_strided_slice %get3A_4 {offsets = [0, 0], sizes = [64, 49], strides = [1, 1]} : vector<64x98xf32> to vector<64x49xf32>
    %mul3A_66 = arith.constant 1.000000e-01 : f32
    %mul3A_67 = vector.broadcast %mul3A_66 : f32 to vector<64x49xf32>
    %mul3A_68 = arith.mulf %slice3A_65, %mul3A_67 : vector<64x49xf32>
    %slice3A_69 = vector.extract_strided_slice %get3A_4 {offsets = [0, 49], sizes = [64, 49], strides = [1, 1]} : vector<64x98xf32> to vector<64x49xf32>
    %mul3A_70 = arith.constant 1.000000e-01 : f32
    %mul3A_71 = vector.broadcast %mul3A_70 : f32 to vector<64x49xf32>
    %mul3A_72 = arith.mulf %slice3A_69, %mul3A_71 : vector<64x49xf32>
    %mul3A_73 = vector.broadcast %div3A_47 : vector<64x1xf32> to vector<64x49xf32>
    %mul3A_74 = arith.mulf %sub3A_64, %mul3A_73 : vector<64x49xf32>
    %add3A_75 = vector.broadcast %sub3A_9 : vector<64x1xf32> to vector<64x49xf32>
    %add3A_76 = arith.addf %mul3A_74, %add3A_75 : vector<64x49xf32>
    %mul3A_77 = vector.broadcast %max3A_41 : vector<64x1xf32> to vector<64x49xf32>
    %mul3A_78 = arith.mulf %mul3A_68, %mul3A_77 : vector<64x49xf32>
    %add3A_79 = arith.addf %add3A_76, %mul3A_78 : vector<64x49xf32>
    %mul3A_80 = vector.broadcast %div3A_50 : vector<64x1xf32> to vector<64x49xf32>
    %mul3A_81 = arith.mulf %floor3A, %mul3A_80 : vector<64x49xf32>
    %add3A_82 = vector.broadcast %sub3A_17 : vector<64x1xf32> to vector<64x49xf32>
    %add3A_83 = arith.addf %mul3A_81, %add3A_82 : vector<64x49xf32>
    %mul3A_84 = vector.broadcast %max3A_45 : vector<64x1xf32> to vector<64x49xf32>
    %mul3A_85 = arith.mulf %mul3A_72, %mul3A_84 : vector<64x49xf32>
    %add3A_86 = arith.addf %add3A_83, %mul3A_85 : vector<64x49xf32>
    %broadcast_in_dim3A = arith.constant 0.000000e+00 : f32
    %broadcast_in_dim3A_87 = vector.broadcast %broadcast_in_dim3A : f32 to vector<64x49xf32>
    %mul3A_88 = arith.constant 0.000000e+00 : f32
    %mul3A_89 = vector.broadcast %mul3A_88 : f32 to vector<64x1xf32>
    %mul3A_90 = arith.mulf %mul3A_89, %div3A_53 : vector<64x1xf32>
    %add3A_91 = vector.broadcast %mul3A_90 : vector<64x1xf32> to vector<64x49xf32>
    %add3A_92 = arith.addf %add3A_79, %add3A_91 : vector<64x49xf32>
    %mul3A_93 = arith.constant 0.000000e+00 : f32
    %mul3A_94 = vector.broadcast %mul3A_93 : f32 to vector<64x1xf32>
    %mul3A_95 = arith.mulf %mul3A_94, %div3A_56 : vector<64x1xf32>
    %add3A_96 = vector.broadcast %mul3A_95 : vector<64x1xf32> to vector<64x49xf32>
    %add3A_97 = arith.addf %add3A_86, %add3A_96 : vector<64x49xf32>
    %gt3A = arith.constant -5.000000e-01 : f32
    %gt3A_98 = vector.broadcast %gt3A : f32 to vector<64x49xf32>
    %gt3A_99 = arith.cmpf ogt, %add3A_92, %gt3A_98 : vector<64x49xf32>
    %lt3A = arith.constant 1.275000e+02 : f32
    %lt3A_100 = vector.broadcast %lt3A : f32 to vector<64x49xf32>
    %lt3A_101 = arith.cmpf olt, %add3A_92, %lt3A_100 : vector<64x49xf32>
    %and3A = arith.andi %gt3A_99, %lt3A_101 : vector<64x49xi1>
    %gt3A_102 = arith.constant -5.000000e-01 : f32
    %gt3A_103 = vector.broadcast %gt3A_102 : f32 to vector<64x49xf32>
    %gt3A_104 = arith.cmpf ogt, %add3A_97, %gt3A_103 : vector<64x49xf32>
    %and3A_105 = arith.andi %and3A, %gt3A_104 : vector<64x49xi1>
    %lt3A_106 = arith.constant 1.275000e+02 : f32
    %lt3A_107 = vector.broadcast %lt3A_106 : f32 to vector<64x49xf32>
    %lt3A_108 = arith.cmpf olt, %add3A_97, %lt3A_107 : vector<64x49xf32>
    %and3A_109 = arith.andi %and3A_105, %lt3A_108 : vector<64x49xi1>
    %convert_element_type3A_110 = arith.extui %and3A_109 : vector<64x49xi1> to vector<64x49xi32>
    %convert_element_type3A_111 = arith.sitofp %convert_element_type3A_110 : vector<64x49xi32> to vector<64x49xf32>
    %add3A_112 = arith.addf %broadcast_in_dim3A_87, %convert_element_type3A_111 : vector<64x49xf32>
    %mul3A_113 = arith.constant 1.000000e+00 : f32
    %mul3A_114 = vector.broadcast %mul3A_113 : f32 to vector<64x1xf32>
    %mul3A_115 = arith.mulf %mul3A_114, %div3A_53 : vector<64x1xf32>
    %add3A_116 = vector.broadcast %mul3A_115 : vector<64x1xf32> to vector<64x49xf32>
    %add3A_117 = arith.addf %add3A_79, %add3A_116 : vector<64x49xf32>
    %mul3A_118 = arith.constant 0.000000e+00 : f32
    %mul3A_119 = vector.broadcast %mul3A_118 : f32 to vector<64x1xf32>
    %mul3A_120 = arith.mulf %mul3A_119, %div3A_56 : vector<64x1xf32>
    %add3A_121 = vector.broadcast %mul3A_120 : vector<64x1xf32> to vector<64x49xf32>
    %add3A_122 = arith.addf %add3A_86, %add3A_121 : vector<64x49xf32>
    %gt3A_123 = arith.constant -5.000000e-01 : f32
    %gt3A_124 = vector.broadcast %gt3A_123 : f32 to vector<64x49xf32>
    %gt3A_125 = arith.cmpf ogt, %add3A_117, %gt3A_124 : vector<64x49xf32>
    %lt3A_126 = arith.constant 1.275000e+02 : f32
    %lt3A_127 = vector.broadcast %lt3A_126 : f32 to vector<64x49xf32>
    %lt3A_128 = arith.cmpf olt, %add3A_117, %lt3A_127 : vector<64x49xf32>
    %and3A_129 = arith.andi %gt3A_125, %lt3A_128 : vector<64x49xi1>
    %gt3A_130 = arith.constant -5.000000e-01 : f32
    %gt3A_131 = vector.broadcast %gt3A_130 : f32 to vector<64x49xf32>
    %gt3A_132 = arith.cmpf ogt, %add3A_122, %gt3A_131 : vector<64x49xf32>
    %and3A_133 = arith.andi %and3A_129, %gt3A_132 : vector<64x49xi1>
    %lt3A_134 = arith.constant 1.275000e+02 : f32
    %lt3A_135 = vector.broadcast %lt3A_134 : f32 to vector<64x49xf32>
    %lt3A_136 = arith.cmpf olt, %add3A_122, %lt3A_135 : vector<64x49xf32>
    %and3A_137 = arith.andi %and3A_133, %lt3A_136 : vector<64x49xi1>
    %convert_element_type3A_138 = arith.extui %and3A_137 : vector<64x49xi1> to vector<64x49xi32>
    %convert_element_type3A_139 = arith.sitofp %convert_element_type3A_138 : vector<64x49xi32> to vector<64x49xf32>
    %add3A_140 = arith.addf %add3A_112, %convert_element_type3A_139 : vector<64x49xf32>
    %mul3A_141 = arith.constant 0.000000e+00 : f32
    %mul3A_142 = vector.broadcast %mul3A_141 : f32 to vector<64x1xf32>
    %mul3A_143 = arith.mulf %mul3A_142, %div3A_53 : vector<64x1xf32>
    %add3A_144 = vector.broadcast %mul3A_143 : vector<64x1xf32> to vector<64x49xf32>
    %add3A_145 = arith.addf %add3A_79, %add3A_144 : vector<64x49xf32>
    %mul3A_146 = arith.constant 1.000000e+00 : f32
    %mul3A_147 = vector.broadcast %mul3A_146 : f32 to vector<64x1xf32>
    %mul3A_148 = arith.mulf %mul3A_147, %div3A_56 : vector<64x1xf32>
    %add3A_149 = vector.broadcast %mul3A_148 : vector<64x1xf32> to vector<64x49xf32>
    %add3A_150 = arith.addf %add3A_86, %add3A_149 : vector<64x49xf32>
    %gt3A_151 = arith.constant -5.000000e-01 : f32
    %gt3A_152 = vector.broadcast %gt3A_151 : f32 to vector<64x49xf32>
    %gt3A_153 = arith.cmpf ogt, %add3A_145, %gt3A_152 : vector<64x49xf32>
    %lt3A_154 = arith.constant 1.275000e+02 : f32
    %lt3A_155 = vector.broadcast %lt3A_154 : f32 to vector<64x49xf32>
    %lt3A_156 = arith.cmpf olt, %add3A_145, %lt3A_155 : vector<64x49xf32>
    %and3A_157 = arith.andi %gt3A_153, %lt3A_156 : vector<64x49xi1>
    %gt3A_158 = arith.constant -5.000000e-01 : f32
    %gt3A_159 = vector.broadcast %gt3A_158 : f32 to vector<64x49xf32>
    %gt3A_160 = arith.cmpf ogt, %add3A_150, %gt3A_159 : vector<64x49xf32>
    %and3A_161 = arith.andi %and3A_157, %gt3A_160 : vector<64x49xi1>
    %lt3A_162 = arith.constant 1.275000e+02 : f32
    %lt3A_163 = vector.broadcast %lt3A_162 : f32 to vector<64x49xf32>
    %lt3A_164 = arith.cmpf olt, %add3A_150, %lt3A_163 : vector<64x49xf32>
    %and3A_165 = arith.andi %and3A_161, %lt3A_164 : vector<64x49xi1>
    %convert_element_type3A_166 = arith.extui %and3A_165 : vector<64x49xi1> to vector<64x49xi32>
    %convert_element_type3A_167 = arith.sitofp %convert_element_type3A_166 : vector<64x49xi32> to vector<64x49xf32>
    %add3A_168 = arith.addf %add3A_140, %convert_element_type3A_167 : vector<64x49xf32>
    %mul3A_169 = arith.constant 1.000000e+00 : f32
    %mul3A_170 = vector.broadcast %mul3A_169 : f32 to vector<64x1xf32>
    %mul3A_171 = arith.mulf %mul3A_170, %div3A_53 : vector<64x1xf32>
    %add3A_172 = vector.broadcast %mul3A_171 : vector<64x1xf32> to vector<64x49xf32>
    %add3A_173 = arith.addf %add3A_79, %add3A_172 : vector<64x49xf32>
    %mul3A_174 = arith.constant 1.000000e+00 : f32
    %mul3A_175 = vector.broadcast %mul3A_174 : f32 to vector<64x1xf32>
    %mul3A_176 = arith.mulf %mul3A_175, %div3A_56 : vector<64x1xf32>
    %add3A_177 = vector.broadcast %mul3A_176 : vector<64x1xf32> to vector<64x49xf32>
    %add3A_178 = arith.addf %add3A_86, %add3A_177 : vector<64x49xf32>
    %gt3A_179 = arith.constant -5.000000e-01 : f32
    %gt3A_180 = vector.broadcast %gt3A_179 : f32 to vector<64x49xf32>
    %gt3A_181 = arith.cmpf ogt, %add3A_173, %gt3A_180 : vector<64x49xf32>
    %lt3A_182 = arith.constant 1.275000e+02 : f32
    %lt3A_183 = vector.broadcast %lt3A_182 : f32 to vector<64x49xf32>
    %lt3A_184 = arith.cmpf olt, %add3A_173, %lt3A_183 : vector<64x49xf32>
    %and3A_185 = arith.andi %gt3A_181, %lt3A_184 : vector<64x49xi1>
    %gt3A_186 = arith.constant -5.000000e-01 : f32
    %gt3A_187 = vector.broadcast %gt3A_186 : f32 to vector<64x49xf32>
    %gt3A_188 = arith.cmpf ogt, %add3A_178, %gt3A_187 : vector<64x49xf32>
    %and3A_189 = arith.andi %and3A_185, %gt3A_188 : vector<64x49xi1>
    %lt3A_190 = arith.constant 1.275000e+02 : f32
    %lt3A_191 = vector.broadcast %lt3A_190 : f32 to vector<64x49xf32>
    %lt3A_192 = arith.cmpf olt, %add3A_178, %lt3A_191 : vector<64x49xf32>
    %and3A_193 = arith.andi %and3A_189, %lt3A_192 : vector<64x49xi1>
    %convert_element_type3A_194 = arith.extui %and3A_193 : vector<64x49xi1> to vector<64x49xi32>
    %convert_element_type3A_195 = arith.sitofp %convert_element_type3A_194 : vector<64x49xi32> to vector<64x49xf32>
    %add3A_196 = arith.addf %add3A_168, %convert_element_type3A_195 : vector<64x49xf32>
    %max3A_197 = arith.constant 1.000000e+00 : f32
    %max3A_198 = vector.broadcast %max3A_197 : f32 to vector<64x49xf32>
    %max3A_199 = arith.maximumf %add3A_196, %max3A_198 : vector<64x49xf32>
    %div3A_200 = arith.constant 1.000000e+00 : f32
    %div3A_201 = vector.broadcast %div3A_200 : f32 to vector<64x49xf32>
    %div3A_202 = arith.divf %div3A_201, %max3A_199 : vector<64x49xf32>
    %mul3A_203 = arith.constant 16384 : i32
    %mul3A_204 = vector.broadcast %mul3A_203 : i32 to vector<64x1xi32>
    %mul3A_205 = arith.muli %convert_element_type3A, %mul3A_204 : vector<64x1xi32>
    %jit3A = arith.constant 0.000000e+00 : f32
    %jit3A_206 = arith.constant 1.270000e+02 : f32
    %max3A_207 = vector.broadcast %jit3A : f32 to vector<64x49xf32>
    %max3A_208 = arith.maximumf %max3A_207, %add3A_92 : vector<64x49xf32>
    %min3A = vector.broadcast %jit3A_206 : f32 to vector<64x49xf32>
    %min3A_209 = arith.minimumf %min3A, %max3A_208 : vector<64x49xf32>
    %jit3A_210 = arith.constant 0.000000e+00 : f32
    %jit3A_211 = arith.constant 1.270000e+02 : f32
    %max3A_212 = vector.broadcast %jit3A_210 : f32 to vector<64x49xf32>
    %max3A_213 = arith.maximumf %max3A_212, %add3A_97 : vector<64x49xf32>
    %min3A_214 = vector.broadcast %jit3A_211 : f32 to vector<64x49xf32>
    %min3A_215 = arith.minimumf %min3A_214, %max3A_213 : vector<64x49xf32>
    %floor3A_216 = math.floor %min3A_209 : vector<64x49xf32>
    %floor3A_217 = math.floor %min3A_215 : vector<64x49xf32>
    %sub3A_218 = arith.subf %min3A_209, %floor3A_216 : vector<64x49xf32>
    %sub3A_219 = arith.subf %min3A_215, %floor3A_217 : vector<64x49xf32>
    %convert_element_type3A_220 = arith.fptosi %floor3A_216 : vector<64x49xf32> to vector<64x49xi32>
    %convert_element_type3A_221 = arith.fptosi %floor3A_217 : vector<64x49xf32> to vector<64x49xi32>
    %ceil3A = math.ceil %min3A_209 : vector<64x49xf32>
    %jit3A_222 = arith.constant 0.000000e+00 : f32
    %jit3A_223 = arith.constant 1.270000e+02 : f32
    %max3A_224 = vector.broadcast %jit3A_222 : f32 to vector<64x49xf32>
    %max3A_225 = arith.maximumf %max3A_224, %ceil3A : vector<64x49xf32>
    %min3A_226 = vector.broadcast %jit3A_223 : f32 to vector<64x49xf32>
    %min3A_227 = arith.minimumf %min3A_226, %max3A_225 : vector<64x49xf32>
    %convert_element_type3A_228 = arith.fptosi %min3A_227 : vector<64x49xf32> to vector<64x49xi32>
    %ceil3A_229 = math.ceil %min3A_215 : vector<64x49xf32>
    %jit3A_230 = arith.constant 0.000000e+00 : f32
    %jit3A_231 = arith.constant 1.270000e+02 : f32
    %max3A_232 = vector.broadcast %jit3A_230 : f32 to vector<64x49xf32>
    %max3A_233 = arith.maximumf %max3A_232, %ceil3A_229 : vector<64x49xf32>
    %min3A_234 = vector.broadcast %jit3A_231 : f32 to vector<64x49xf32>
    %min3A_235 = arith.minimumf %min3A_234, %max3A_233 : vector<64x49xf32>
    %convert_element_type3A_236 = arith.fptosi %min3A_235 : vector<64x49xf32> to vector<64x49xi32>
    %jit3A_237 = arith.constant 0.000000e+00 : f32
    %broadcast_in_dim3A_238 = vector.broadcast %jit3A_237 : f32 to vector<64x49xf32>
    %select_n3A = arith.select %and3A_109, %div3A_202, %broadcast_in_dim3A_238 : vector<64x49xi1>, vector<64x49xf32>
    %mul3A_239 = arith.constant 128 : i32
    %mul3A_240 = vector.broadcast %mul3A_239 : i32 to vector<64x49xi32>
    %mul3A_241 = arith.muli %convert_element_type3A_221, %mul3A_240 : vector<64x49xi32>
    %add3A_242 = vector.broadcast %mul3A_205 : vector<64x1xi32> to vector<64x49xi32>
    %add3A_243 = arith.addi %add3A_242, %mul3A_241 : vector<64x49xi32>
    %mul3A_244 = arith.constant 128 : i32
    %mul3A_245 = vector.broadcast %mul3A_244 : i32 to vector<64x49xi32>
    %mul3A_246 = arith.muli %convert_element_type3A_236, %mul3A_245 : vector<64x49xi32>
    %add3A_247 = vector.broadcast %mul3A_205 : vector<64x1xi32> to vector<64x49xi32>
    %add3A_248 = arith.addi %add3A_247, %mul3A_246 : vector<64x49xi32>
    %add3A_249 = arith.addi %add3A_243, %convert_element_type3A_220 : vector<64x49xi32>
    %sub3A_250 = arith.constant 1.000000e+00 : f32
    %sub3A_251 = vector.broadcast %sub3A_250 : f32 to vector<64x49xf32>
    %sub3A_252 = arith.subf %sub3A_251, %sub3A_218 : vector<64x49xf32>
    %sub3A_253 = arith.constant 1.000000e+00 : f32
    %sub3A_254 = vector.broadcast %sub3A_253 : f32 to vector<64x49xf32>
    %sub3A_255 = arith.subf %sub3A_254, %sub3A_219 : vector<64x49xf32>
    %mul3A_256 = arith.mulf %sub3A_252, %sub3A_255 : vector<64x49xf32>
    %add3A_257 = arith.addi %add3A_243, %convert_element_type3A_228 : vector<64x49xi32>
    %sub3A_258 = arith.constant 1.000000e+00 : f32
    %sub3A_259 = vector.broadcast %sub3A_258 : f32 to vector<64x49xf32>
    %sub3A_260 = arith.subf %sub3A_259, %sub3A_219 : vector<64x49xf32>
    %mul3A_261 = arith.mulf %sub3A_218, %sub3A_260 : vector<64x49xf32>
    %add3A_262 = arith.addi %add3A_248, %convert_element_type3A_220 : vector<64x49xi32>
    %sub3A_263 = arith.constant 1.000000e+00 : f32
    %sub3A_264 = vector.broadcast %sub3A_263 : f32 to vector<64x49xf32>
    %sub3A_265 = arith.subf %sub3A_264, %sub3A_218 : vector<64x49xf32>
    %mul3A_266 = arith.mulf %sub3A_265, %sub3A_219 : vector<64x49xf32>
    %add3A_267 = arith.addi %add3A_248, %convert_element_type3A_228 : vector<64x49xi32>
    %mul3A_268 = arith.mulf %sub3A_218, %sub3A_219 : vector<64x49xf32>
    %swap3A = arith.constant 0 : index
    %swap3A_269 = arith.constant 0 : index
    %swap3A_270 = arith.constant 0 : index
    %swap3A_271 = vector.load %arg2[%swap3A, %swap3A_269, %swap3A_270] : memref<64x49x16xi32, #tpu.memory_space<vmem>>, vector<64x49x1xi32>
    %swap3A_272 = vector.shape_cast %swap3A_271 : vector<64x49x1xi32> to vector<64x49xi32>
    %swap3A_273 = vector.shape_cast %add3A_249 : vector<64x49xi32> to vector<64x49x1xi32>
    tpu.vector_store %arg2[%swap3A, %swap3A_269, %swap3A_270], %swap3A_273 {strides = array<i32>} : memref<64x49x16xi32, #tpu.memory_space<vmem>>, vector<64x49x1xi32>,
    %mul3A_274 = arith.mulf %mul3A_256, %select_n3A : vector<64x49xf32>
    %broadcast_in_dim3A_275 = vector.shape_cast %mul3A_274 : vector<64x49xf32> to vector<64x49x1xf32>
    %broadcast_in_dim3A_276 = vector.shape_cast %broadcast_in_dim3A_275 : vector<64x49x1xf32> to vector<64x49x1xf32>
    %broadcast_in_dim3A_277 = vector.broadcast %broadcast_in_dim3A_276 : vector<64x49x1xf32> to vector<64x49x16xf32>
    %swap3A_278 = arith.constant 0 : index
    %swap3A_279 = arith.constant 0 : index
    %swap3A_280 = arith.constant 0 : index
    %swap3A_281 = vector.load %arg3[%swap3A_278, %swap3A_279, %swap3A_280] : memref<64x49x256xf32, #tpu.memory_space<vmem>>, vector<64x49x16xf32>
    tpu.vector_store %arg3[%swap3A_278, %swap3A_279, %swap3A_280], %broadcast_in_dim3A_277 {strides = array<i32>} : memref<64x49x256xf32, #tpu.memory_space<vmem>>, vector<64x49x16xf32>,
    %swap3A_282 = arith.constant 0 : index
    %swap3A_283 = arith.constant 0 : index
    %swap3A_284 = arith.constant 1 : index
    %swap3A_285 = vector.load %arg2[%swap3A_282, %swap3A_283, %swap3A_284] : memref<64x49x16xi32, #tpu.memory_space<vmem>>, vector<64x49x1xi32>
    %swap3A_286 = vector.shape_cast %swap3A_285 : vector<64x49x1xi32> to vector<64x49xi32>
    %swap3A_287 = vector.shape_cast %add3A_257 : vector<64x49xi32> to vector<64x49x1xi32>
    tpu.vector_store %arg2[%swap3A_282, %swap3A_283, %swap3A_284], %swap3A_287 {strides = array<i32>} : memref<64x49x16xi32, #tpu.memory_space<vmem>>, vector<64x49x1xi32>,
    %mul3A_288 = arith.mulf %mul3A_261, %select_n3A : vector<64x49xf32>
    %broadcast_in_dim3A_289 = vector.shape_cast %mul3A_288 : vector<64x49xf32> to vector<64x49x1xf32>
    %broadcast_in_dim3A_290 = vector.shape_cast %broadcast_in_dim3A_289 : vector<64x49x1xf32> to vector<64x49x1xf32>
    %broadcast_in_dim3A_291 = vector.broadcast %broadcast_in_dim3A_290 : vector<64x49x1xf32> to vector<64x49x16xf32>
    %swap3A_292 = arith.constant 0 : index
    %swap3A_293 = arith.constant 0 : index
    %swap3A_294 = arith.constant 16 : index
    %swap3A_295 = vector.load %arg3[%swap3A_292, %swap3A_293, %swap3A_294] : memref<64x49x256xf32, #tpu.memory_space<vmem>>, vector<64x49x16xf32>
    tpu.vector_store %arg3[%swap3A_292, %swap3A_293, %swap3A_294], %broadcast_in_dim3A_291 {strides = array<i32>} : memref<64x49x256xf32, #tpu.memory_space<vmem>>, vector<64x49x16xf32>,
    %swap3A_296 = arith.constant 0 : index
    %swap3A_297 = arith.constant 0 : index
    %swap3A_298 = arith.constant 2 : index
    %swap3A_299 = vector.load %arg2[%swap3A_296, %swap3A_297, %swap3A_298] : memref<64x49x16xi32, #tpu.memory_space<vmem>>, vector<64x49x1xi32>
    %swap3A_300 = vector.shape_cast %swap3A_299 : vector<64x49x1xi32> to vector<64x49xi32>
    %swap3A_301 = vector.shape_cast %add3A_262 : vector<64x49xi32> to vector<64x49x1xi32>
    tpu.vector_store %arg2[%swap3A_296, %swap3A_297, %swap3A_298], %swap3A_301 {strides = array<i32>} : memref<64x49x16xi32, #tpu.memory_space<vmem>>, vector<64x49x1xi32>,
    %mul3A_302 = arith.mulf %mul3A_266, %select_n3A : vector<64x49xf32>
    %broadcast_in_dim3A_303 = vector.shape_cast %mul3A_302 : vector<64x49xf32> to vector<64x49x1xf32>
    %broadcast_in_dim3A_304 = vector.shape_cast %broadcast_in_dim3A_303 : vector<64x49x1xf32> to vector<64x49x1xf32>
    %broadcast_in_dim3A_305 = vector.broadcast %broadcast_in_dim3A_304 : vector<64x49x1xf32> to vector<64x49x16xf32>
    %swap3A_306 = arith.constant 0 : index
    %swap3A_307 = arith.constant 0 : index
    %swap3A_308 = arith.constant 32 : index
    %swap3A_309 = vector.load %arg3[%swap3A_306, %swap3A_307, %swap3A_308] : memref<64x49x256xf32, #tpu.memory_space<vmem>>, vector<64x49x16xf32>
    tpu.vector_store %arg3[%swap3A_306, %swap3A_307, %swap3A_308], %broadcast_in_dim3A_305 {strides = array<i32>} : memref<64x49x256xf32, #tpu.memory_space<vmem>>, vector<64x49x16xf32>,
    %swap3A_310 = arith.constant 0 : index
    %swap3A_311 = arith.constant 0 : index
    %swap3A_312 = arith.constant 3 : index
    %swap3A_313 = vector.load %arg2[%swap3A_310, %swap3A_311, %swap3A_312] : memref<64x49x16xi32, #tpu.memory_space<vmem>>, vector<64x49x1xi32>
    %swap3A_314 = vector.shape_cast %swap3A_313 : vector<64x49x1xi32> to vector<64x49xi32>
    %swap3A_315 = vector.shape_cast %add3A_267 : vector<64x49xi32> to vector<64x49x1xi32>
    tpu.vector_store %arg2[%swap3A_310, %swap3A_311, %swap3A_312], %swap3A_315 {strides = array<i32>} : memref<64x49x16xi32, #tpu.memory_space<vmem>>, vector<64x49x1xi32>,
    %mul3A_316 = arith.mulf %mul3A_268, %select_n3A : vector<64x49xf32>
    %broadcast_in_dim3A_317 = vector.shape_cast %mul3A_316 : vector<64x49xf32> to vector<64x49x1xf32>
    %broadcast_in_dim3A_318 = vector.shape_cast %broadcast_in_dim3A_317 : vector<64x49x1xf32> to vector<64x49x1xf32>
    %broadcast_in_dim3A_319 = vector.broadcast %broadcast_in_dim3A_318 : vector<64x49x1xf32> to vector<64x49x16xf32>
    %swap3A_320 = arith.constant 0 : index
    %swap3A_321 = arith.constant 0 : index
    %swap3A_322 = arith.constant 48 : index
    %swap3A_323 = vector.load %arg3[%swap3A_320, %swap3A_321, %swap3A_322] : memref<64x49x256xf32, #tpu.memory_space<vmem>>, vector<64x49x16xf32>
    tpu.vector_store %arg3[%swap3A_320, %swap3A_321, %swap3A_322], %broadcast_in_dim3A_319 {strides = array<i32>} : memref<64x49x256xf32, #tpu.memory_space<vmem>>, vector<64x49x16xf32>,
    %jit3A_324 = arith.constant 0.000000e+00 : f32
    %jit3A_325 = arith.constant 1.270000e+02 : f32
    %max3A_326 = vector.broadcast %jit3A_324 : f32 to vector<64x49xf32>
    %max3A_327 = arith.maximumf %max3A_326, %add3A_117 : vector<64x49xf32>
    %min3A_328 = vector.broadcast %jit3A_325 : f32 to vector<64x49xf32>
    %min3A_329 = arith.minimumf %min3A_328, %max3A_327 : vector<64x49xf32>
    %jit3A_330 = arith.constant 0.000000e+00 : f32
    %jit3A_331 = arith.constant 1.270000e+02 : f32
    %max3A_332 = vector.broadcast %jit3A_330 : f32 to vector<64x49xf32>
    %max3A_333 = arith.maximumf %max3A_332, %add3A_122 : vector<64x49xf32>
    %min3A_334 = vector.broadcast %jit3A_331 : f32 to vector<64x49xf32>
    %min3A_335 = arith.minimumf %min3A_334, %max3A_333 : vector<64x49xf32>
    %floor3A_336 = math.floor %min3A_329 : vector<64x49xf32>
    %floor3A_337 = math.floor %min3A_335 : vector<64x49xf32>
    %sub3A_338 = arith.subf %min3A_329, %floor3A_336 : vector<64x49xf32>
    %sub3A_339 = arith.subf %min3A_335, %floor3A_337 : vector<64x49xf32>
    %convert_element_type3A_340 = arith.fptosi %floor3A_336 : vector<64x49xf32> to vector<64x49xi32>
    %convert_element_type3A_341 = arith.fptosi %floor3A_337 : vector<64x49xf32> to vector<64x49xi32>
    %ceil3A_342 = math.ceil %min3A_329 : vector<64x49xf32>
    %jit3A_343 = arith.constant 0.000000e+00 : f32
    %jit3A_344 = arith.constant 1.270000e+02 : f32
    %max3A_345 = vector.broadcast %jit3A_343 : f32 to vector<64x49xf32>
    %max3A_346 = arith.maximumf %max3A_345, %ceil3A_342 : vector<64x49xf32>
    %min3A_347 = vector.broadcast %jit3A_344 : f32 to vector<64x49xf32>
    %min3A_348 = arith.minimumf %min3A_347, %max3A_346 : vector<64x49xf32>
    %convert_element_type3A_349 = arith.fptosi %min3A_348 : vector<64x49xf32> to vector<64x49xi32>
    %ceil3A_350 = math.ceil %min3A_335 : vector<64x49xf32>
    %jit3A_351 = arith.constant 0.000000e+00 : f32
    %jit3A_352 = arith.constant 1.270000e+02 : f32
    %max3A_353 = vector.broadcast %jit3A_351 : f32 to vector<64x49xf32>
    %max3A_354 = arith.maximumf %max3A_353, %ceil3A_350 : vector<64x49xf32>
    %min3A_355 = vector.broadcast %jit3A_352 : f32 to vector<64x49xf32>
    %min3A_356 = arith.minimumf %min3A_355, %max3A_354 : vector<64x49xf32>
    %convert_element_type3A_357 = arith.fptosi %min3A_356 : vector<64x49xf32> to vector<64x49xi32>
    %jit3A_358 = arith.constant 0.000000e+00 : f32
    %broadcast_in_dim3A_359 = vector.broadcast %jit3A_358 : f32 to vector<64x49xf32>
    %select_n3A_360 = arith.select %and3A_137, %div3A_202, %broadcast_in_dim3A_359 : vector<64x49xi1>, vector<64x49xf32>
    %mul3A_361 = arith.constant 128 : i32
    %mul3A_362 = vector.broadcast %mul3A_361 : i32 to vector<64x49xi32>
    %mul3A_363 = arith.muli %convert_element_type3A_341, %mul3A_362 : vector<64x49xi32>
    %add3A_364 = vector.broadcast %mul3A_205 : vector<64x1xi32> to vector<64x49xi32>
    %add3A_365 = arith.addi %add3A_364, %mul3A_363 : vector<64x49xi32>
    %mul3A_366 = arith.constant 128 : i32
    %mul3A_367 = vector.broadcast %mul3A_366 : i32 to vector<64x49xi32>
    %mul3A_368 = arith.muli %convert_element_type3A_357, %mul3A_367 : vector<64x49xi32>
    %add3A_369 = vector.broadcast %mul3A_205 : vector<64x1xi32> to vector<64x49xi32>
    %add3A_370 = arith.addi %add3A_369, %mul3A_368 : vector<64x49xi32>
    %add3A_371 = arith.addi %add3A_365, %convert_element_type3A_340 : vector<64x49xi32>
    %sub3A_372 = arith.constant 1.000000e+00 : f32
    %sub3A_373 = vector.broadcast %sub3A_372 : f32 to vector<64x49xf32>
    %sub3A_374 = arith.subf %sub3A_373, %sub3A_338 : vector<64x49xf32>
    %sub3A_375 = arith.constant 1.000000e+00 : f32
    %sub3A_376 = vector.broadcast %sub3A_375 : f32 to vector<64x49xf32>
    %sub3A_377 = arith.subf %sub3A_376, %sub3A_339 : vector<64x49xf32>
    %mul3A_378 = arith.mulf %sub3A_374, %sub3A_377 : vector<64x49xf32>
    %add3A_379 = arith.addi %add3A_365, %convert_element_type3A_349 : vector<64x49xi32>
    %sub3A_380 = arith.constant 1.000000e+00 : f32
    %sub3A_381 = vector.broadcast %sub3A_380 : f32 to vector<64x49xf32>
    %sub3A_382 = arith.subf %sub3A_381, %sub3A_339 : vector<64x49xf32>
    %mul3A_383 = arith.mulf %sub3A_338, %sub3A_382 : vector<64x49xf32>
    %add3A_384 = arith.addi %add3A_370, %convert_element_type3A_340 : vector<64x49xi32>
    %sub3A_385 = arith.constant 1.000000e+00 : f32
    %sub3A_386 = vector.broadcast %sub3A_385 : f32 to vector<64x49xf32>
    %sub3A_387 = arith.subf %sub3A_386, %sub3A_338 : vector<64x49xf32>
    %mul3A_388 = arith.mulf %sub3A_387, %sub3A_339 : vector<64x49xf32>
    %add3A_389 = arith.addi %add3A_370, %convert_element_type3A_349 : vector<64x49xi32>
    %mul3A_390 = arith.mulf %sub3A_338, %sub3A_339 : vector<64x49xf32>
    %swap3A_391 = arith.constant 0 : index
    %swap3A_392 = arith.constant 0 : index
    %swap3A_393 = arith.constant 4 : index
    %swap3A_394 = vector.load %arg2[%swap3A_391, %swap3A_392, %swap3A_393] : memref<64x49x16xi32, #tpu.memory_space<vmem>>, vector<64x49x1xi32>
    %swap3A_395 = vector.shape_cast %swap3A_394 : vector<64x49x1xi32> to vector<64x49xi32>
    %swap3A_396 = vector.shape_cast %add3A_371 : vector<64x49xi32> to vector<64x49x1xi32>
    tpu.vector_store %arg2[%swap3A_391, %swap3A_392, %swap3A_393], %swap3A_396 {strides = array<i32>} : memref<64x49x16xi32, #tpu.memory_space<vmem>>, vector<64x49x1xi32>,
    %mul3A_397 = arith.mulf %mul3A_378, %select_n3A_360 : vector<64x49xf32>
    %broadcast_in_dim3A_398 = vector.shape_cast %mul3A_397 : vector<64x49xf32> to vector<64x49x1xf32>
    %broadcast_in_dim3A_399 = vector.shape_cast %broadcast_in_dim3A_398 : vector<64x49x1xf32> to vector<64x49x1xf32>
    %broadcast_in_dim3A_400 = vector.broadcast %broadcast_in_dim3A_399 : vector<64x49x1xf32> to vector<64x49x16xf32>
    %swap3A_401 = arith.constant 0 : index
    %swap3A_402 = arith.constant 0 : index
    %swap3A_403 = arith.constant 64 : index
    %swap3A_404 = vector.load %arg3[%swap3A_401, %swap3A_402, %swap3A_403] : memref<64x49x256xf32, #tpu.memory_space<vmem>>, vector<64x49x16xf32>
    tpu.vector_store %arg3[%swap3A_401, %swap3A_402, %swap3A_403], %broadcast_in_dim3A_400 {strides = array<i32>} : memref<64x49x256xf32, #tpu.memory_space<vmem>>, vector<64x49x16xf32>,
    %swap3A_405 = arith.constant 0 : index
    %swap3A_406 = arith.constant 0 : index
    %swap3A_407 = arith.constant 5 : index
    %swap3A_408 = vector.load %arg2[%swap3A_405, %swap3A_406, %swap3A_407] : memref<64x49x16xi32, #tpu.memory_space<vmem>>, vector<64x49x1xi32>
    %swap3A_409 = vector.shape_cast %swap3A_408 : vector<64x49x1xi32> to vector<64x49xi32>
    %swap3A_410 = vector.shape_cast %add3A_379 : vector<64x49xi32> to vector<64x49x1xi32>
    tpu.vector_store %arg2[%swap3A_405, %swap3A_406, %swap3A_407], %swap3A_410 {strides = array<i32>} : memref<64x49x16xi32, #tpu.memory_space<vmem>>, vector<64x49x1xi32>,
    %mul3A_411 = arith.mulf %mul3A_383, %select_n3A_360 : vector<64x49xf32>
    %broadcast_in_dim3A_412 = vector.shape_cast %mul3A_411 : vector<64x49xf32> to vector<64x49x1xf32>
    %broadcast_in_dim3A_413 = vector.shape_cast %broadcast_in_dim3A_412 : vector<64x49x1xf32> to vector<64x49x1xf32>
    %broadcast_in_dim3A_414 = vector.broadcast %broadcast_in_dim3A_413 : vector<64x49x1xf32> to vector<64x49x16xf32>
    %swap3A_415 = arith.constant 0 : index
    %swap3A_416 = arith.constant 0 : index
    %swap3A_417 = arith.constant 80 : index
    %swap3A_418 = vector.load %arg3[%swap3A_415, %swap3A_416, %swap3A_417] : memref<64x49x256xf32, #tpu.memory_space<vmem>>, vector<64x49x16xf32>
    tpu.vector_store %arg3[%swap3A_415, %swap3A_416, %swap3A_417], %broadcast_in_dim3A_414 {strides = array<i32>} : memref<64x49x256xf32, #tpu.memory_space<vmem>>, vector<64x49x16xf32>,
    %swap3A_419 = arith.constant 0 : index
    %swap3A_420 = arith.constant 0 : index
    %swap3A_421 = arith.constant 6 : index
    %swap3A_422 = vector.load %arg2[%swap3A_419, %swap3A_420, %swap3A_421] : memref<64x49x16xi32, #tpu.memory_space<vmem>>, vector<64x49x1xi32>
    %swap3A_423 = vector.shape_cast %swap3A_422 : vector<64x49x1xi32> to vector<64x49xi32>
    %swap3A_424 = vector.shape_cast %add3A_384 : vector<64x49xi32> to vector<64x49x1xi32>
    tpu.vector_store %arg2[%swap3A_419, %swap3A_420, %swap3A_421], %swap3A_424 {strides = array<i32>} : memref<64x49x16xi32, #tpu.memory_space<vmem>>, vector<64x49x1xi32>,
    %mul3A_425 = arith.mulf %mul3A_388, %select_n3A_360 : vector<64x49xf32>
    %broadcast_in_dim3A_426 = vector.shape_cast %mul3A_425 : vector<64x49xf32> to vector<64x49x1xf32>
    %broadcast_in_dim3A_427 = vector.shape_cast %broadcast_in_dim3A_426 : vector<64x49x1xf32> to vector<64x49x1xf32>
    %broadcast_in_dim3A_428 = vector.broadcast %broadcast_in_dim3A_427 : vector<64x49x1xf32> to vector<64x49x16xf32>
    %swap3A_429 = arith.constant 0 : index
    %swap3A_430 = arith.constant 0 : index
    %swap3A_431 = arith.constant 96 : index
    %swap3A_432 = vector.load %arg3[%swap3A_429, %swap3A_430, %swap3A_431] : memref<64x49x256xf32, #tpu.memory_space<vmem>>, vector<64x49x16xf32>
    tpu.vector_store %arg3[%swap3A_429, %swap3A_430, %swap3A_431], %broadcast_in_dim3A_428 {strides = array<i32>} : memref<64x49x256xf32, #tpu.memory_space<vmem>>, vector<64x49x16xf32>,
    %swap3A_433 = arith.constant 0 : index
    %swap3A_434 = arith.constant 0 : index
    %swap3A_435 = arith.constant 7 : index
    %swap3A_436 = vector.load %arg2[%swap3A_433, %swap3A_434, %swap3A_435] : memref<64x49x16xi32, #tpu.memory_space<vmem>>, vector<64x49x1xi32>
    %swap3A_437 = vector.shape_cast %swap3A_436 : vector<64x49x1xi32> to vector<64x49xi32>
    %swap3A_438 = vector.shape_cast %add3A_389 : vector<64x49xi32> to vector<64x49x1xi32>
    tpu.vector_store %arg2[%swap3A_433, %swap3A_434, %swap3A_435], %swap3A_438 {strides = array<i32>} : memref<64x49x16xi32, #tpu.memory_space<vmem>>, vector<64x49x1xi32>,
    %mul3A_439 = arith.mulf %mul3A_390, %select_n3A_360 : vector<64x49xf32>
    %broadcast_in_dim3A_440 = vector.shape_cast %mul3A_439 : vector<64x49xf32> to vector<64x49x1xf32>
    %broadcast_in_dim3A_441 = vector.shape_cast %broadcast_in_dim3A_440 : vector<64x49x1xf32> to vector<64x49x1xf32>
    %broadcast_in_dim3A_442 = vector.broadcast %broadcast_in_dim3A_441 : vector<64x49x1xf32> to vector<64x49x16xf32>
    %swap3A_443 = arith.constant 0 : index
    %swap3A_444 = arith.constant 0 : index
    %swap3A_445 = arith.constant 112 : index
    %swap3A_446 = vector.load %arg3[%swap3A_443, %swap3A_444, %swap3A_445] : memref<64x49x256xf32, #tpu.memory_space<vmem>>, vector<64x49x16xf32>
    tpu.vector_store %arg3[%swap3A_443, %swap3A_444, %swap3A_445], %broadcast_in_dim3A_442 {strides = array<i32>} : memref<64x49x256xf32, #tpu.memory_space<vmem>>, vector<64x49x16xf32>,
    %jit3A_447 = arith.constant 0.000000e+00 : f32
    %jit3A_448 = arith.constant 1.270000e+02 : f32
    %max3A_449 = vector.broadcast %jit3A_447 : f32 to vector<64x49xf32>
    %max3A_450 = arith.maximumf %max3A_449, %add3A_145 : vector<64x49xf32>
    %min3A_451 = vector.broadcast %jit3A_448 : f32 to vector<64x49xf32>
    %min3A_452 = arith.minimumf %min3A_451, %max3A_450 : vector<64x49xf32>
    %jit3A_453 = arith.constant 0.000000e+00 : f32
    %jit3A_454 = arith.constant 1.270000e+02 : f32
    %max3A_455 = vector.broadcast %jit3A_453 : f32 to vector<64x49xf32>
    %max3A_456 = arith.maximumf %max3A_455, %add3A_150 : vector<64x49xf32>
    %min3A_457 = vector.broadcast %jit3A_454 : f32 to vector<64x49xf32>
    %min3A_458 = arith.minimumf %min3A_457, %max3A_456 : vector<64x49xf32>
    %floor3A_459 = math.floor %min3A_452 : vector<64x49xf32>
    %floor3A_460 = math.floor %min3A_458 : vector<64x49xf32>
    %sub3A_461 = arith.subf %min3A_452, %floor3A_459 : vector<64x49xf32>
    %sub3A_462 = arith.subf %min3A_458, %floor3A_460 : vector<64x49xf32>
    %convert_element_type3A_463 = arith.fptosi %floor3A_459 : vector<64x49xf32> to vector<64x49xi32>
    %convert_element_type3A_464 = arith.fptosi %floor3A_460 : vector<64x49xf32> to vector<64x49xi32>
    %ceil3A_465 = math.ceil %min3A_452 : vector<64x49xf32>
    %jit3A_466 = arith.constant 0.000000e+00 : f32
    %jit3A_467 = arith.constant 1.270000e+02 : f32
    %max3A_468 = vector.broadcast %jit3A_466 : f32 to vector<64x49xf32>
    %max3A_469 = arith.maximumf %max3A_468, %ceil3A_465 : vector<64x49xf32>
    %min3A_470 = vector.broadcast %jit3A_467 : f32 to vector<64x49xf32>
    %min3A_471 = arith.minimumf %min3A_470, %max3A_469 : vector<64x49xf32>
    %convert_element_type3A_472 = arith.fptosi %min3A_471 : vector<64x49xf32> to vector<64x49xi32>
    %ceil3A_473 = math.ceil %min3A_458 : vector<64x49xf32>
    %jit3A_474 = arith.constant 0.000000e+00 : f32
    %jit3A_475 = arith.constant 1.270000e+02 : f32
    %max3A_476 = vector.broadcast %jit3A_474 : f32 to vector<64x49xf32>
    %max3A_477 = arith.maximumf %max3A_476, %ceil3A_473 : vector<64x49xf32>
    %min3A_478 = vector.broadcast %jit3A_475 : f32 to vector<64x49xf32>
    %min3A_479 = arith.minimumf %min3A_478, %max3A_477 : vector<64x49xf32>
    %convert_element_type3A_480 = arith.fptosi %min3A_479 : vector<64x49xf32> to vector<64x49xi32>
    %jit3A_481 = arith.constant 0.000000e+00 : f32
    %broadcast_in_dim3A_482 = vector.broadcast %jit3A_481 : f32 to vector<64x49xf32>
    %select_n3A_483 = arith.select %and3A_165, %div3A_202, %broadcast_in_dim3A_482 : vector<64x49xi1>, vector<64x49xf32>
    %mul3A_484 = arith.constant 128 : i32
    %mul3A_485 = vector.broadcast %mul3A_484 : i32 to vector<64x49xi32>
    %mul3A_486 = arith.muli %convert_element_type3A_464, %mul3A_485 : vector<64x49xi32>
    %add3A_487 = vector.broadcast %mul3A_205 : vector<64x1xi32> to vector<64x49xi32>
    %add3A_488 = arith.addi %add3A_487, %mul3A_486 : vector<64x49xi32>
    %mul3A_489 = arith.constant 128 : i32
    %mul3A_490 = vector.broadcast %mul3A_489 : i32 to vector<64x49xi32>
    %mul3A_491 = arith.muli %convert_element_type3A_480, %mul3A_490 : vector<64x49xi32>
    %add3A_492 = vector.broadcast %mul3A_205 : vector<64x1xi32> to vector<64x49xi32>
    %add3A_493 = arith.addi %add3A_492, %mul3A_491 : vector<64x49xi32>
    %add3A_494 = arith.addi %add3A_488, %convert_element_type3A_463 : vector<64x49xi32>
    %sub3A_495 = arith.constant 1.000000e+00 : f32
    %sub3A_496 = vector.broadcast %sub3A_495 : f32 to vector<64x49xf32>
    %sub3A_497 = arith.subf %sub3A_496, %sub3A_461 : vector<64x49xf32>
    %sub3A_498 = arith.constant 1.000000e+00 : f32
    %sub3A_499 = vector.broadcast %sub3A_498 : f32 to vector<64x49xf32>
    %sub3A_500 = arith.subf %sub3A_499, %sub3A_462 : vector<64x49xf32>
    %mul3A_501 = arith.mulf %sub3A_497, %sub3A_500 : vector<64x49xf32>
    %add3A_502 = arith.addi %add3A_488, %convert_element_type3A_472 : vector<64x49xi32>
    %sub3A_503 = arith.constant 1.000000e+00 : f32
    %sub3A_504 = vector.broadcast %sub3A_503 : f32 to vector<64x49xf32>
    %sub3A_505 = arith.subf %sub3A_504, %sub3A_462 : vector<64x49xf32>
    %mul3A_506 = arith.mulf %sub3A_461, %sub3A_505 : vector<64x49xf32>
    %add3A_507 = arith.addi %add3A_493, %convert_element_type3A_463 : vector<64x49xi32>
    %sub3A_508 = arith.constant 1.000000e+00 : f32
    %sub3A_509 = vector.broadcast %sub3A_508 : f32 to vector<64x49xf32>
    %sub3A_510 = arith.subf %sub3A_509, %sub3A_461 : vector<64x49xf32>
    %mul3A_511 = arith.mulf %sub3A_510, %sub3A_462 : vector<64x49xf32>
    %add3A_512 = arith.addi %add3A_493, %convert_element_type3A_472 : vector<64x49xi32>
    %mul3A_513 = arith.mulf %sub3A_461, %sub3A_462 : vector<64x49xf32>
    %swap3A_514 = arith.constant 0 : index
    %swap3A_515 = arith.constant 0 : index
    %swap3A_516 = arith.constant 8 : index
    %swap3A_517 = vector.load %arg2[%swap3A_514, %swap3A_515, %swap3A_516] : memref<64x49x16xi32, #tpu.memory_space<vmem>>, vector<64x49x1xi32>
    %swap3A_518 = vector.shape_cast %swap3A_517 : vector<64x49x1xi32> to vector<64x49xi32>
    %swap3A_519 = vector.shape_cast %add3A_494 : vector<64x49xi32> to vector<64x49x1xi32>
    tpu.vector_store %arg2[%swap3A_514, %swap3A_515, %swap3A_516], %swap3A_519 {strides = array<i32>} : memref<64x49x16xi32, #tpu.memory_space<vmem>>, vector<64x49x1xi32>,
    %mul3A_520 = arith.mulf %mul3A_501, %select_n3A_483 : vector<64x49xf32>
    %broadcast_in_dim3A_521 = vector.shape_cast %mul3A_520 : vector<64x49xf32> to vector<64x49x1xf32>
    %broadcast_in_dim3A_522 = vector.shape_cast %broadcast_in_dim3A_521 : vector<64x49x1xf32> to vector<64x49x1xf32>
    %broadcast_in_dim3A_523 = vector.broadcast %broadcast_in_dim3A_522 : vector<64x49x1xf32> to vector<64x49x16xf32>
    %swap3A_524 = arith.constant 0 : index
    %swap3A_525 = arith.constant 0 : index
    %swap3A_526 = arith.constant 128 : index
    %swap3A_527 = vector.load %arg3[%swap3A_524, %swap3A_525, %swap3A_526] : memref<64x49x256xf32, #tpu.memory_space<vmem>>, vector<64x49x16xf32>
    tpu.vector_store %arg3[%swap3A_524, %swap3A_525, %swap3A_526], %broadcast_in_dim3A_523 {strides = array<i32>} : memref<64x49x256xf32, #tpu.memory_space<vmem>>, vector<64x49x16xf32>,
    %swap3A_528 = arith.constant 0 : index
    %swap3A_529 = arith.constant 0 : index
    %swap3A_530 = arith.constant 9 : index
    %swap3A_531 = vector.load %arg2[%swap3A_528, %swap3A_529, %swap3A_530] : memref<64x49x16xi32, #tpu.memory_space<vmem>>, vector<64x49x1xi32>
    %swap3A_532 = vector.shape_cast %swap3A_531 : vector<64x49x1xi32> to vector<64x49xi32>
    %swap3A_533 = vector.shape_cast %add3A_502 : vector<64x49xi32> to vector<64x49x1xi32>
    tpu.vector_store %arg2[%swap3A_528, %swap3A_529, %swap3A_530], %swap3A_533 {strides = array<i32>} : memref<64x49x16xi32, #tpu.memory_space<vmem>>, vector<64x49x1xi32>,
    %mul3A_534 = arith.mulf %mul3A_506, %select_n3A_483 : vector<64x49xf32>
    %broadcast_in_dim3A_535 = vector.shape_cast %mul3A_534 : vector<64x49xf32> to vector<64x49x1xf32>
    %broadcast_in_dim3A_536 = vector.shape_cast %broadcast_in_dim3A_535 : vector<64x49x1xf32> to vector<64x49x1xf32>
    %broadcast_in_dim3A_537 = vector.broadcast %broadcast_in_dim3A_536 : vector<64x49x1xf32> to vector<64x49x16xf32>
    %swap3A_538 = arith.constant 0 : index
    %swap3A_539 = arith.constant 0 : index
    %swap3A_540 = arith.constant 144 : index
    %swap3A_541 = vector.load %arg3[%swap3A_538, %swap3A_539, %swap3A_540] : memref<64x49x256xf32, #tpu.memory_space<vmem>>, vector<64x49x16xf32>
    tpu.vector_store %arg3[%swap3A_538, %swap3A_539, %swap3A_540], %broadcast_in_dim3A_537 {strides = array<i32>} : memref<64x49x256xf32, #tpu.memory_space<vmem>>, vector<64x49x16xf32>,
    %swap3A_542 = arith.constant 0 : index
    %swap3A_543 = arith.constant 0 : index
    %swap3A_544 = arith.constant 10 : index
    %swap3A_545 = vector.load %arg2[%swap3A_542, %swap3A_543, %swap3A_544] : memref<64x49x16xi32, #tpu.memory_space<vmem>>, vector<64x49x1xi32>
    %swap3A_546 = vector.shape_cast %swap3A_545 : vector<64x49x1xi32> to vector<64x49xi32>
    %swap3A_547 = vector.shape_cast %add3A_507 : vector<64x49xi32> to vector<64x49x1xi32>
    tpu.vector_store %arg2[%swap3A_542, %swap3A_543, %swap3A_544], %swap3A_547 {strides = array<i32>} : memref<64x49x16xi32, #tpu.memory_space<vmem>>, vector<64x49x1xi32>,
    %mul3A_548 = arith.mulf %mul3A_511, %select_n3A_483 : vector<64x49xf32>
    %broadcast_in_dim3A_549 = vector.shape_cast %mul3A_548 : vector<64x49xf32> to vector<64x49x1xf32>
    %broadcast_in_dim3A_550 = vector.shape_cast %broadcast_in_dim3A_549 : vector<64x49x1xf32> to vector<64x49x1xf32>
    %broadcast_in_dim3A_551 = vector.broadcast %broadcast_in_dim3A_550 : vector<64x49x1xf32> to vector<64x49x16xf32>
    %swap3A_552 = arith.constant 0 : index
    %swap3A_553 = arith.constant 0 : index
    %swap3A_554 = arith.constant 160 : index
    %swap3A_555 = vector.load %arg3[%swap3A_552, %swap3A_553, %swap3A_554] : memref<64x49x256xf32, #tpu.memory_space<vmem>>, vector<64x49x16xf32>
    tpu.vector_store %arg3[%swap3A_552, %swap3A_553, %swap3A_554], %broadcast_in_dim3A_551 {strides = array<i32>} : memref<64x49x256xf32, #tpu.memory_space<vmem>>, vector<64x49x16xf32>,
    %swap3A_556 = arith.constant 0 : index
    %swap3A_557 = arith.constant 0 : index
    %swap3A_558 = arith.constant 11 : index
    %swap3A_559 = vector.load %arg2[%swap3A_556, %swap3A_557, %swap3A_558] : memref<64x49x16xi32, #tpu.memory_space<vmem>>, vector<64x49x1xi32>
    %swap3A_560 = vector.shape_cast %swap3A_559 : vector<64x49x1xi32> to vector<64x49xi32>
    %swap3A_561 = vector.shape_cast %add3A_512 : vector<64x49xi32> to vector<64x49x1xi32>
    tpu.vector_store %arg2[%swap3A_556, %swap3A_557, %swap3A_558], %swap3A_561 {strides = array<i32>} : memref<64x49x16xi32, #tpu.memory_space<vmem>>, vector<64x49x1xi32>,
    %mul3A_562 = arith.mulf %mul3A_513, %select_n3A_483 : vector<64x49xf32>
    %broadcast_in_dim3A_563 = vector.shape_cast %mul3A_562 : vector<64x49xf32> to vector<64x49x1xf32>
    %broadcast_in_dim3A_564 = vector.shape_cast %broadcast_in_dim3A_563 : vector<64x49x1xf32> to vector<64x49x1xf32>
    %broadcast_in_dim3A_565 = vector.broadcast %broadcast_in_dim3A_564 : vector<64x49x1xf32> to vector<64x49x16xf32>
    %swap3A_566 = arith.constant 0 : index
    %swap3A_567 = arith.constant 0 : index
    %swap3A_568 = arith.constant 176 : index
    %swap3A_569 = vector.load %arg3[%swap3A_566, %swap3A_567, %swap3A_568] : memref<64x49x256xf32, #tpu.memory_space<vmem>>, vector<64x49x16xf32>
    tpu.vector_store %arg3[%swap3A_566, %swap3A_567, %swap3A_568], %broadcast_in_dim3A_565 {strides = array<i32>} : memref<64x49x256xf32, #tpu.memory_space<vmem>>, vector<64x49x16xf32>,
    %jit3A_570 = arith.constant 0.000000e+00 : f32
    %jit3A_571 = arith.constant 1.270000e+02 : f32
    %max3A_572 = vector.broadcast %jit3A_570 : f32 to vector<64x49xf32>
    %max3A_573 = arith.maximumf %max3A_572, %add3A_173 : vector<64x49xf32>
    %min3A_574 = vector.broadcast %jit3A_571 : f32 to vector<64x49xf32>
    %min3A_575 = arith.minimumf %min3A_574, %max3A_573 : vector<64x49xf32>
    %jit3A_576 = arith.constant 0.000000e+00 : f32
    %jit3A_577 = arith.constant 1.270000e+02 : f32
    %max3A_578 = vector.broadcast %jit3A_576 : f32 to vector<64x49xf32>
    %max3A_579 = arith.maximumf %max3A_578, %add3A_178 : vector<64x49xf32>
    %min3A_580 = vector.broadcast %jit3A_577 : f32 to vector<64x49xf32>
    %min3A_581 = arith.minimumf %min3A_580, %max3A_579 : vector<64x49xf32>
    %floor3A_582 = math.floor %min3A_575 : vector<64x49xf32>
    %floor3A_583 = math.floor %min3A_581 : vector<64x49xf32>
    %sub3A_584 = arith.subf %min3A_575, %floor3A_582 : vector<64x49xf32>
    %sub3A_585 = arith.subf %min3A_581, %floor3A_583 : vector<64x49xf32>
    %convert_element_type3A_586 = arith.fptosi %floor3A_582 : vector<64x49xf32> to vector<64x49xi32>
    %convert_element_type3A_587 = arith.fptosi %floor3A_583 : vector<64x49xf32> to vector<64x49xi32>
    %ceil3A_588 = math.ceil %min3A_575 : vector<64x49xf32>
    %jit3A_589 = arith.constant 0.000000e+00 : f32
    %jit3A_590 = arith.constant 1.270000e+02 : f32
    %max3A_591 = vector.broadcast %jit3A_589 : f32 to vector<64x49xf32>
    %max3A_592 = arith.maximumf %max3A_591, %ceil3A_588 : vector<64x49xf32>
    %min3A_593 = vector.broadcast %jit3A_590 : f32 to vector<64x49xf32>
    %min3A_594 = arith.minimumf %min3A_593, %max3A_592 : vector<64x49xf32>
    %convert_element_type3A_595 = arith.fptosi %min3A_594 : vector<64x49xf32> to vector<64x49xi32>
    %ceil3A_596 = math.ceil %min3A_581 : vector<64x49xf32>
    %jit3A_597 = arith.constant 0.000000e+00 : f32
    %jit3A_598 = arith.constant 1.270000e+02 : f32
    %max3A_599 = vector.broadcast %jit3A_597 : f32 to vector<64x49xf32>
    %max3A_600 = arith.maximumf %max3A_599, %ceil3A_596 : vector<64x49xf32>
    %min3A_601 = vector.broadcast %jit3A_598 : f32 to vector<64x49xf32>
    %min3A_602 = arith.minimumf %min3A_601, %max3A_600 : vector<64x49xf32>
    %convert_element_type3A_603 = arith.fptosi %min3A_602 : vector<64x49xf32> to vector<64x49xi32>
    %jit3A_604 = arith.constant 0.000000e+00 : f32
    %broadcast_in_dim3A_605 = vector.broadcast %jit3A_604 : f32 to vector<64x49xf32>
    %select_n3A_606 = arith.select %and3A_193, %div3A_202, %broadcast_in_dim3A_605 : vector<64x49xi1>, vector<64x49xf32>
    %mul3A_607 = arith.constant 128 : i32
    %mul3A_608 = vector.broadcast %mul3A_607 : i32 to vector<64x49xi32>
    %mul3A_609 = arith.muli %convert_element_type3A_587, %mul3A_608 : vector<64x49xi32>
    %add3A_610 = vector.broadcast %mul3A_205 : vector<64x1xi32> to vector<64x49xi32>
    %add3A_611 = arith.addi %add3A_610, %mul3A_609 : vector<64x49xi32>
    %mul3A_612 = arith.constant 128 : i32
    %mul3A_613 = vector.broadcast %mul3A_612 : i32 to vector<64x49xi32>
    %mul3A_614 = arith.muli %convert_element_type3A_603, %mul3A_613 : vector<64x49xi32>
    %add3A_615 = vector.broadcast %mul3A_205 : vector<64x1xi32> to vector<64x49xi32>
    %add3A_616 = arith.addi %add3A_615, %mul3A_614 : vector<64x49xi32>
    %add3A_617 = arith.addi %add3A_611, %convert_element_type3A_586 : vector<64x49xi32>
    %sub3A_618 = arith.constant 1.000000e+00 : f32
    %sub3A_619 = vector.broadcast %sub3A_618 : f32 to vector<64x49xf32>
    %sub3A_620 = arith.subf %sub3A_619, %sub3A_584 : vector<64x49xf32>
    %sub3A_621 = arith.constant 1.000000e+00 : f32
    %sub3A_622 = vector.broadcast %sub3A_621 : f32 to vector<64x49xf32>
    %sub3A_623 = arith.subf %sub3A_622, %sub3A_585 : vector<64x49xf32>
    %mul3A_624 = arith.mulf %sub3A_620, %sub3A_623 : vector<64x49xf32>
    %add3A_625 = arith.addi %add3A_611, %convert_element_type3A_595 : vector<64x49xi32>
    %sub3A_626 = arith.constant 1.000000e+00 : f32
    %sub3A_627 = vector.broadcast %sub3A_626 : f32 to vector<64x49xf32>
    %sub3A_628 = arith.subf %sub3A_627, %sub3A_585 : vector<64x49xf32>
    %mul3A_629 = arith.mulf %sub3A_584, %sub3A_628 : vector<64x49xf32>
    %add3A_630 = arith.addi %add3A_616, %convert_element_type3A_586 : vector<64x49xi32>
    %sub3A_631 = arith.constant 1.000000e+00 : f32
    %sub3A_632 = vector.broadcast %sub3A_631 : f32 to vector<64x49xf32>
    %sub3A_633 = arith.subf %sub3A_632, %sub3A_584 : vector<64x49xf32>
    %mul3A_634 = arith.mulf %sub3A_633, %sub3A_585 : vector<64x49xf32>
    %add3A_635 = arith.addi %add3A_616, %convert_element_type3A_595 : vector<64x49xi32>
    %mul3A_636 = arith.mulf %sub3A_584, %sub3A_585 : vector<64x49xf32>
    %swap3A_637 = arith.constant 0 : index
    %swap3A_638 = arith.constant 0 : index
    %swap3A_639 = arith.constant 12 : index
    %swap3A_640 = vector.load %arg2[%swap3A_637, %swap3A_638, %swap3A_639] : memref<64x49x16xi32, #tpu.memory_space<vmem>>, vector<64x49x1xi32>
    %swap3A_641 = vector.shape_cast %swap3A_640 : vector<64x49x1xi32> to vector<64x49xi32>
    %swap3A_642 = vector.shape_cast %add3A_617 : vector<64x49xi32> to vector<64x49x1xi32>
    tpu.vector_store %arg2[%swap3A_637, %swap3A_638, %swap3A_639], %swap3A_642 {strides = array<i32>} : memref<64x49x16xi32, #tpu.memory_space<vmem>>, vector<64x49x1xi32>,
    %mul3A_643 = arith.mulf %mul3A_624, %select_n3A_606 : vector<64x49xf32>
    %broadcast_in_dim3A_644 = vector.shape_cast %mul3A_643 : vector<64x49xf32> to vector<64x49x1xf32>
    %broadcast_in_dim3A_645 = vector.shape_cast %broadcast_in_dim3A_644 : vector<64x49x1xf32> to vector<64x49x1xf32>
    %broadcast_in_dim3A_646 = vector.broadcast %broadcast_in_dim3A_645 : vector<64x49x1xf32> to vector<64x49x16xf32>
    %swap3A_647 = arith.constant 0 : index
    %swap3A_648 = arith.constant 0 : index
    %swap3A_649 = arith.constant 192 : index
    %swap3A_650 = vector.load %arg3[%swap3A_647, %swap3A_648, %swap3A_649] : memref<64x49x256xf32, #tpu.memory_space<vmem>>, vector<64x49x16xf32>
    tpu.vector_store %arg3[%swap3A_647, %swap3A_648, %swap3A_649], %broadcast_in_dim3A_646 {strides = array<i32>} : memref<64x49x256xf32, #tpu.memory_space<vmem>>, vector<64x49x16xf32>,
    %swap3A_651 = arith.constant 0 : index
    %swap3A_652 = arith.constant 0 : index
    %swap3A_653 = arith.constant 13 : index
    %swap3A_654 = vector.load %arg2[%swap3A_651, %swap3A_652, %swap3A_653] : memref<64x49x16xi32, #tpu.memory_space<vmem>>, vector<64x49x1xi32>
    %swap3A_655 = vector.shape_cast %swap3A_654 : vector<64x49x1xi32> to vector<64x49xi32>
    %swap3A_656 = vector.shape_cast %add3A_625 : vector<64x49xi32> to vector<64x49x1xi32>
    tpu.vector_store %arg2[%swap3A_651, %swap3A_652, %swap3A_653], %swap3A_656 {strides = array<i32>} : memref<64x49x16xi32, #tpu.memory_space<vmem>>, vector<64x49x1xi32>,
    %mul3A_657 = arith.mulf %mul3A_629, %select_n3A_606 : vector<64x49xf32>
    %broadcast_in_dim3A_658 = vector.shape_cast %mul3A_657 : vector<64x49xf32> to vector<64x49x1xf32>
    %broadcast_in_dim3A_659 = vector.shape_cast %broadcast_in_dim3A_658 : vector<64x49x1xf32> to vector<64x49x1xf32>
    %broadcast_in_dim3A_660 = vector.broadcast %broadcast_in_dim3A_659 : vector<64x49x1xf32> to vector<64x49x16xf32>
    %swap3A_661 = arith.constant 0 : index
    %swap3A_662 = arith.constant 0 : index
    %swap3A_663 = arith.constant 208 : index
    %swap3A_664 = vector.load %arg3[%swap3A_661, %swap3A_662, %swap3A_663] : memref<64x49x256xf32, #tpu.memory_space<vmem>>, vector<64x49x16xf32>
    tpu.vector_store %arg3[%swap3A_661, %swap3A_662, %swap3A_663], %broadcast_in_dim3A_660 {strides = array<i32>} : memref<64x49x256xf32, #tpu.memory_space<vmem>>, vector<64x49x16xf32>,
    %swap3A_665 = arith.constant 0 : index
    %swap3A_666 = arith.constant 0 : index
    %swap3A_667 = arith.constant 14 : index
    %swap3A_668 = vector.load %arg2[%swap3A_665, %swap3A_666, %swap3A_667] : memref<64x49x16xi32, #tpu.memory_space<vmem>>, vector<64x49x1xi32>
    %swap3A_669 = vector.shape_cast %swap3A_668 : vector<64x49x1xi32> to vector<64x49xi32>
    %swap3A_670 = vector.shape_cast %add3A_630 : vector<64x49xi32> to vector<64x49x1xi32>
    tpu.vector_store %arg2[%swap3A_665, %swap3A_666, %swap3A_667], %swap3A_670 {strides = array<i32>} : memref<64x49x16xi32, #tpu.memory_space<vmem>>, vector<64x49x1xi32>,
    %mul3A_671 = arith.mulf %mul3A_634, %select_n3A_606 : vector<64x49xf32>
    %broadcast_in_dim3A_672 = vector.shape_cast %mul3A_671 : vector<64x49xf32> to vector<64x49x1xf32>
    %broadcast_in_dim3A_673 = vector.shape_cast %broadcast_in_dim3A_672 : vector<64x49x1xf32> to vector<64x49x1xf32>
    %broadcast_in_dim3A_674 = vector.broadcast %broadcast_in_dim3A_673 : vector<64x49x1xf32> to vector<64x49x16xf32>
    %swap3A_675 = arith.constant 0 : index
    %swap3A_676 = arith.constant 0 : index
    %swap3A_677 = arith.constant 224 : index
    %swap3A_678 = vector.load %arg3[%swap3A_675, %swap3A_676, %swap3A_677] : memref<64x49x256xf32, #tpu.memory_space<vmem>>, vector<64x49x16xf32>
    tpu.vector_store %arg3[%swap3A_675, %swap3A_676, %swap3A_677], %broadcast_in_dim3A_674 {strides = array<i32>} : memref<64x49x256xf32, #tpu.memory_space<vmem>>, vector<64x49x16xf32>,
    %swap3A_679 = arith.constant 0 : index
    %swap3A_680 = arith.constant 0 : index
    %swap3A_681 = arith.constant 15 : index
    %swap3A_682 = vector.load %arg2[%swap3A_679, %swap3A_680, %swap3A_681] : memref<64x49x16xi32, #tpu.memory_space<vmem>>, vector<64x49x1xi32>
    %swap3A_683 = vector.shape_cast %swap3A_682 : vector<64x49x1xi32> to vector<64x49xi32>
    %swap3A_684 = vector.shape_cast %add3A_635 : vector<64x49xi32> to vector<64x49x1xi32>
    tpu.vector_store %arg2[%swap3A_679, %swap3A_680, %swap3A_681], %swap3A_684 {strides = array<i32>} : memref<64x49x16xi32, #tpu.memory_space<vmem>>, vector<64x49x1xi32>,
    %mul3A_685 = arith.mulf %mul3A_636, %select_n3A_606 : vector<64x49xf32>
    %broadcast_in_dim3A_686 = vector.shape_cast %mul3A_685 : vector<64x49xf32> to vector<64x49x1xf32>
    %broadcast_in_dim3A_687 = vector.shape_cast %broadcast_in_dim3A_686 : vector<64x49x1xf32> to vector<64x49x1xf32>
    %broadcast_in_dim3A_688 = vector.broadcast %broadcast_in_dim3A_687 : vector<64x49x1xf32> to vector<64x49x16xf32>
    %swap3A_689 = arith.constant 0 : index
    %swap3A_690 = arith.constant 0 : index
    %swap3A_691 = arith.constant 240 : index
    %swap3A_692 = vector.load %arg3[%swap3A_689, %swap3A_690, %swap3A_691] : memref<64x49x256xf32, #tpu.memory_space<vmem>>, vector<64x49x16xf32>
    tpu.vector_store %arg3[%swap3A_689, %swap3A_690, %swap3A_691], %broadcast_in_dim3A_688 {strides = array<i32>} : memref<64x49x256xf32, #tpu.memory_space<vmem>>, vector<64x49x16xf32>,
    return
  }
}

</mosaic_0001>

<sc_bundles>
// kernel: _deform_roi_pool_sc.4.cloned.1.call-start
scs
__scs_entry_jumppad:
0x0: {  	(pc) =	sbr.rel $0x88, $3  }
0x1: {  	(tag) =	ssettag $0x0;
	lr =	simm.s32 $0x1  }
0x2: {  	[smem:$0x3F9E] =	sst lr;
	_ =	strace $0xD0000000  }
0x3: {  	_ = 	snop  }
0x4: {  	_ = 	snop  }
0x5: {  	_ = 	snop  }
0x6: {  	_ = 	snop  }
0x7: {  	_ = 	snop  }
__scs_overlays_trampoline_lowered:
0x8: {  	[smem:$0x3FAD] =	sst s0  }
0x9: {  	[smem:$0x3FAE] =	sst s1  }
0xa: {  	[smem:$0x3FAF] =	sst s2  }
0xb: {  	[smem:$0x3FB0] =	sst s3  }
0xc: {  	[smem:$0x3FB1] =	sst s4  }
0xd: {  	[smem:$0x3FB2] =	sst s5  }
0xe: {  	[smem:$0x3FB3] =	sst s6  }
0xf: {  	[smem:$0x3FB4] =	sst s7  }
0x10: {  	[smem:$0x3FB5] =	sst s8  }
0x11: {  	[smem:$0x3FB6] =	sst s9;
	s0 =	simm.s32 @!p0 $0x0  }
0x12: {  	s1 =	sld [smem:$0x3F9C];
	s0 =	simm.s32 @p0 $0x1  }
0x13: {  	[smem:$0x3FB7] =	sst s0;
	s0 =	simm.s32 @!p1 $0x0  }
0x14: {  	s2 =	sld [smem:$0x3F9B];
	s0 =	simm.s32 @p1 $0x1  }
0x15: {  	[smem:$0x3FB8] =	sst s0;
	s0 =	simm.s32 @!p2 $0x0  }
0x16: {  	s3 =	sld [smem:$0x3FDB];
	s0 =	simm.s32 @p2 $0x1  }
0x17: {  	s4 =	simm.s32 $0x1BF5;
	[smem:$0x3FBA] =	sst s0  }
0x18: {  	s0 =	sld [smem:$0x3F9D];
	_ =	swait.ge [sflag:s4], $0x0  }
0x19: {  	s7 =	sld [smem:$0x3F9E]  }
0x1a: {  	s8 =	sadd.s32 $0xFFFFE003, lr  }
0x1b: {  	s9 =	sadd.s32 $0xFFFFFEF7, lr;
	s5 =	simm.s32 $0xFFFFFFFF;
	p2 =	slt.u32 s8, $0xFFFFF086  }
0x1c: {  	p1 =	slt.u32 s9, $0xF7A;
	s5 =	simm.s32 @!p2 $0x0  }
0x1d: {  	s5 =	simm.s32 @p1 $0x1;
	p0 =	seq.s32 s7, s2  }
0x1e: {  	s7 =	smul.u32 @!p0 $0xF7A, s2;
	p2 =	seq.s32 @!p0 s5, $0x0  }
0x1f: {  	s9 =	smul.u32 $0xF7A, s1;
	s8 =	simm.s32 @!p0 $0x1BF5;
	p2 =	por !p2, p0  }
0x20: {  	[sflag:s8] =	ssyncset.s32 @!p0 $0xFFFFF086;
	s6 =	sadd.s32 @!p0 s3, s7;
	s7 =	simm.s32 @!p0 $0x108  }
0x21: {  	s3 =	sadd.s32 s3, s9;
	s6 =	sadd.s32 @!p0 $0x88, s6;
	s7 =	simm.s32 @p2 $0x1082  }
0x22: {  	[simem:s7], [sflag:s8] =	dma.local @!p0 [hbm:s6], $0xF7A  }
0x23: {  	s9 =	sor.u32 $0xD0000000, s2;
	s6 =	simm.s32 $0x108;
	_ =	swait.ge @!p0 [sflag:s8], $0x0  }
0x24: {  	s3 =	sadd.s32 $0x88, s3;
	s6 =	simm.s32 @!p1 $0x1082;
	[sflag:s4] =	ssyncset.s32 $0xFFFFF086  }
0x25: {  	[simem:s6], [sflag:s4] =	dma.local [hbm:s3], $0xF7A  }
0x26: {  	[smem:$0x3F9E] =	sst s1;
	(tag) =	ssettag s2;
	_ =	strace s9  }
0x27: {  	s1 =	sld [smem:$0x3FAE]  }
0x28: {  	s2 =	sld [smem:$0x3FAF]  }
0x29: {  	s4 =	sld [smem:$0x3FB1]  }
0x2a: {  	p0 =	seq.s32 s5, $0x0;
	s5 =	sld [smem:$0x3FB2]  }
0x2b: {  	s6 =	sld [smem:$0x3FB3]  }
0x2c: {  	s7 =	sld [smem:$0x3FB4]  }
0x2d: {  	s3 =	simm.s32 $0x108;
	s8 =	sld [smem:$0x3FB5]  }
0x2e: {  	s3 =	simm.s32 @!p0 $0x1082;
	s9 =	sld [smem:$0x3FB6]  }
0x2f: {  	lr =	sadd.s32 s0, s3;
	s0 =	sld [smem:$0x3FAD]  }
0x30: {  	s3 =	sld [smem:$0x3FB0]  }
0x31: {  	[smem:$0x3FB9] =	sst s10  }
0x32: {  	s10 =	sld [smem:$0x3FB7];
	_ =	sdelay $0x3  }
0x33: {  	p0 =	seq.s32 s10, $0x1;
	s10 =	sld [smem:$0x3FB9];
	_ =	sdelay $0x3  }
0x34: {  	[smem:$0x3FB9] =	sst s10  }
0x35: {  	s10 =	sld [smem:$0x3FB8];
	_ =	sdelay $0x3  }
0x36: {  	p1 =	seq.s32 s10, $0x1;
	s10 =	sld [smem:$0x3FB9];
	_ =	sdelay $0x3  }
0x37: {  	[smem:$0x3FB9] =	sst s10  }
0x38: {  	s10 =	sld [smem:$0x3FBA]  }
0x39: {  	_ = 	snop;
	(pc) =	sbr.ind lr, $3  }
0x3a: {  	_ = 	snop  }
0x3b: {  	_ = 	snop  }
0x3c: {  	p2 =	seq.s32 s10, $0x1;
	s10 =	sld [smem:$0x3FB9]  }
0x3d: {  	_ =	shalt  }
0x3e: {  	_ =	shalt  }
0x3f: {  	_ =	shalt  }
0x40: {  	_ =	shalt  }
0x41: {  	_ =	shalt  }
0x42: {  	_ =	shalt  }
0x43: {  	_ =	shalt  }
0x44: {  	_ =	shalt  }
0x45: {  	_ =	shalt  }
0x46: {  	_ =	shalt  }
0x47: {  	_ =	shalt  }
0x48: {  	_ =	shalt  }
0x49: {  	_ =	shalt  }
0x4a: {  	_ =	shalt  }
0x4b: {  	_ =	shalt  }
0x4c: {  	_ =	shalt  }
0x4d: {  	_ =	shalt  }
0x4e: {  	_ =	shalt  }
0x4f: {  	_ =	shalt  }
0x50: {  	_ =	shalt  }
0x51: {  	_ =	shalt  }
0x52: {  	_ =	shalt  }
0x53: {  	_ =	shalt  }
0x54: {  	_ =	shalt  }
0x55: {  	_ =	shalt  }
0x56: {  	_ =	shalt  }
0x57: {  	_ =	shalt  }
0x58: {  	_ =	shalt  }
0x59: {  	_ =	shalt  }
0x5a: {  	_ =	shalt  }
0x5b: {  	_ =	shalt  }
0x5c: {  	_ =	shalt  }
0x5d: {  	_ =	shalt  }
0x5e: {  	_ =	shalt  }
0x5f: {  	_ =	shalt  }
0x60: {  	_ =	shalt  }
0x61: {  	_ =	shalt  }
0x62: {  	_ =	shalt  }
0x63: {  	_ =	shalt  }
0x64: {  	_ =	shalt  }
0x65: {  	_ =	shalt  }
0x66: {  	_ =	shalt  }
0x67: {  	_ =	shalt  }
0x68: {  	_ =	shalt  }
0x69: {  	_ =	shalt  }
0x6a: {  	_ =	shalt  }
0x6b: {  	_ =	shalt  }
0x6c: {  	_ =	shalt  }
0x6d: {  	_ =	shalt  }
0x6e: {  	_ =	shalt  }
0x6f: {  	_ =	shalt  }
0x70: {  	_ =	shalt  }
0x71: {  	_ =	shalt  }
0x72: {  	_ =	shalt  }
0x73: {  	_ =	shalt  }
0x74: {  	_ =	shalt  }
0x75: {  	_ =	shalt  }
0x76: {  	_ =	shalt  }
0x77: {  	_ =	shalt  }
0x78: {  	_ =	shalt  }
0x79: {  	_ =	shalt  }
0x7a: {  	_ =	shalt  }
0x7b: {  	_ =	shalt  }
0x7c: {  	_ =	shalt  }
0x7d: {  	_ =	shalt  }
0x7e: {  	_ =	shalt  }
0x7f: {  	_ =	shalt  }
0x80: {  	_ =	shalt  }
0x81: {  	_ =	shalt  }
0x82: {  	_ =	shalt  }
0x83: {  	_ =	shalt  }
0x84: {  	_ =	shalt  }
0x85: {  	_ =	shalt  }
0x86: {  	_ =	shalt  }
0x87: {  	_ =	shalt  }
.Lfunc_end0:
.L_simem_size_0:
called_computation.1_lowered:
.L_overlay_start_0:
0x88: {  	s2 =	sld [smem:$0x3FD9]  }
0x89: {  	s3 =	sld [smem:$0x3FFE];
	_ =	sdelay $0x1  }
0x8a: {  	s1 =	srdreg.scid  }
0x8b: {  	s0 =	sand.u32 $0x1, s1  }
0x8c: {  	s17 =	sshll.u32 s0, $0xA;
	s2 =	sadd.s32 s3, s2  }
0x8d: {  	s2 =	sadd.s32 s2, s17  }
0x8e: {  	[smem:$0x3FC5] =	sst s2  }
0x8f: {  	_ = 	snop  }
0x90: {  	s2 =	sld [smem:$0x3FD0];
	(tm) =	ssettm $0x1  }
0x91: {  	s18 =	sld [smem:$0x3FFB];
	_ =	sdelay $0x3  }
0x92: {  	_ =	strace s18  }
0x93: {  	s3 =	sld [smem:$0x3FFC];
	_ =	sdelay $0x3  }
0x94: {  	_ =	strace s3  }
0x95: {  	s3 =	sld [smem:$0x3FFD];
	_ =	sdelay $0x3  }
0x96: {  	_ =	strace s3  }
0x97: {  	_ =	strace $0x8FFFFFFF  }
0x98: {  	s19 =	sld [smem:$0x3FDB];
	_ =	sdelay $0x1  }
0x99: {  	s4 =	simm.s32 $_scs_section_size  }
0x9a: {  	s5 =	simm.s32 $_size__tile_overlayer_lowered;
	s6 =	simm.s32 $_tile_overlayer_lowered  }
0x9b: {  	s22 =	simm.s32 $0x1BFF;
	s21 =	sshll.u32 s6, $0x1;
	s3 =	sadd.s32 s4, s19  }
0x9c: {  	s7 =	simm.s32 $0x0;
	s20 =	sshll.u32 s5, $0x1;
	s5 =	sadd.s32 s21, s3  }
0x9d: {  	[timem:s7], [sflag:s22] =	dma.local [hbm:s5], s20  }
0x9e: {  	_ =	swait.ge [sflag:s22], s20  }
0x9f: {  	s4 =	ssub.s32 $0x0, s20;
	[sflag:s22] =	ssyncset.done $0x0  }
0xa0: {  	[sflag:s22] =	ssyncadd.s32 s4;
	_ =	sdelay $0x1  }
0xa1: {  	s23 =	simm.s32 $0x1B8B  }
0xa2: {  	_ =	swait.ge [sflag:s23], $0x1  }
0xa3: {  	[sflag:s23] =	ssyncset.done $0x0  }
0xa4: {  	s25 =	simm.s32 $0x1B8E;
	s24 =	sld [smem:$0x3FFE];
	[sflag:s23] =	ssyncadd.s32 $0xFFFFFFFF  }
0xa5: {  	s26 =	simm.s32 $execute0_lowered;
	[smem:$0x3FD2] =	sst s25  }
0xa6: {  	s5 =	sshll.u32 s26, $0x1;
	_ =	strace $0x80000049;
	[dreg:$0x1] =	wrdreg $0xFFFFFFFF  }
0xa7: {  	s28 =	simm.s32 $_size_execute0_lowered;
	s3 =	sadd.s32 s3, s5;
	[dreg:$0x0] =	wrdreg $0x0  }
0xa8: {  	s5 =	sshll.u32 s28, $0x1;
	[dreg:$0x2] =	wrdreg s3  }
0xa9: {  	[dreg:$0x3] =	wrdreg s5  }
0xaa: {  	[dreg:$0x4] =	wrdreg $0xC0  }
0xab: {  	_ =	task [dreg:s7], $0x5FFFF  }
0xac: {  	[dreg:$0x1] =	wrdreg $0xFFFFFFFF  }
0xad: {  	[dreg:$0x0] =	wrdreg $0x60  }
0xae: {  	[dreg:$0x2] =	wrdreg s24  }
0xaf: {  	[dreg:$0x3] =	wrdreg s2  }
0xb0: {  	[dreg:$0x4] =	wrdreg $0x9  }
0xb1: {  	_ =	task.clear_ibuf [dreg:s7], $0x5FFFF;
	_ =	strace $0x90000049  }
0xb2: {  	s29 =	simm.s32 $0x9;
	_ =	strace $0x8000004B  }
0xb3: {  	_ =	swait.ge [sflag:s29], $0x1  }
0xb4: {  	[sflag:s29] =	ssyncadd.s32 $0xFFFFFFFF  }
0xb5: {  	_ =	strace $0x9000004B  }
0xb6: {  	_ =	sfence  }
0xb7: {  	s30 =	sld [smem:$0x0];
	_ =	sdelay $0x2  }
0xb8: {  	s31 =	sshll.u32 s1, $0xD;
	s1 =	sshrl.u32 s1, $0x2  }
0xb9: {  	s3 =	sand.u32 $0x4000, s31;
	s1 =	sadd.s32 s1, s30  }
0xba: {  	s0 =	sor.u32 s3, s0;
	s1 =	sshll.u32 s1, $0x11  }
0xbb: {  	s0 =	sor.u32 s1, s0  }
0xbc: {  	s0 =	sadd.s32 $0x8F2B, s0  }
0xbd: {  	[sflag:s0] =	ssyncadd.remote.s32 $0x1  }
0xbe: {  	_ =	sfence.sel $0xFFFF  }
0xbf: {  	[dreg:$0x0] =	wrdreg $0xFFFFFFFF;
	(pc) =	sbr.abs _section_cstart, $3  }
0xc0: {  	[dreg:$0x1] =	wrdreg $0xFFFFFFFF  }
0xc1: {  	_ =	task.clear_ibuf [dreg:s7], $0x2FFFF;
	_ =	strace $0x9FFFFFFF  }
0xc2: {  	(tm) =	ssettm $0x7FFFFFFF  }
0xc3: {  	_ =	shalt  }
tec
execute0_lowered:
.L_overlay_start_1:
0x0: {  	(tag) =	ssettag $0x1  }
0x1: {  	s0 =	rddreg [dreg:$0x0];
	s1 =	srdreg.scid  }
0x2: {  	s2 =	stileid.u32;
	s4 =	rddreg [dreg:$0x1]  }
0x3: {  	s11 =	simm.s32 $0x3;
	s25 =	simm.s32 $0xE880;
	s28 =	simm.s32 $0xF880  }
0x4: {  	s29 =	simm.s32 $0x10080;
	s30 =	simm.s32 $0x10880;
	s31 =	simm.s32 $0x11080  }
0x5: {  	s9 =	simm.s32 $0x2;
	s1 =	sand.u32 $0x1, s1;
	s3 =	sshll.u32 s2, $0x1  }
0x6: {  	s12 =	simm.s32 $0x0;
	s2 =	simm.s32 $0x0;
	s5 =	sor.u32 s1, s3  }
0x7: {  	[smem:$0x7FF] =	sst s2;
	s1 =	ssub.s32 $0x2, s1;
	s3 =	smul.u32 $0xC4, s5  }
0x8: {  	_ =	strace $0x8000004A;
	s7 =	smul.u32 $0xD00, s5;
	s8 =	sshrl.u32 s1, $0x1  }
0x9: {  	s5 =	smul.u32 $0xC40, s5;
	s1 =	ssub.s32 s1, s8;
	s8 =	simm.s32 $0x1  }
0xa: {  	s6 =	sadd.s32 s3, s0;
	s3 =	sadd.s32 $0xE00, s0;
	s0 =	sadd.s32 s7, s0  }
0xb: {  	s4 =	sadd.s32 s4, s5;
	s26 =	smax.u32 s1, $0x1;
	s1 =	simm.s32 $0x11880  }
0xc: {  	s5 =	simm.s32 $0x13080;
	s7 =	simm.s32 $0x14080;
	[dreg:$0x4] =	wrdreg s4  }
0xd: {  	v2 =	vlaneseq.u32;
	s6 =	sadd.s32 $0x200E00, s6;
	s0 =	sadd.s32 $0x202800, s0;
	[dreg:$0x6] =	wrdreg s26  }
0xe: {  	vm0 =	vmmov $0xffff;
	v1 =	vshrl.u32 v2, $0x3;
	s26 =	simm.s32 $0xF080;
	s4 =	simm.s32 $0x12880;
	[dreg:$0x3] =	wrdreg s6  }
0xf: {  	v0 =	vand.u32 $0x7, v2;
	v2 =	vor.u32 $0x8, v2;
	v1 =	vmul.u32 $0x8, v1;
	[dreg:$0x5] =	wrdreg s0;
	s0 =	simm.s32 $0x12080;
	s6 =	simm.s32 $0x13880  }
.LBB2_1:
0x10: {  	[dreg:$0x7] =	wrdreg s12  }
0x11: {  	s10 =	rddreg [dreg:$0x3]  }
0x12: {  	[tilespmem:s2], [sflag:$0x3] =	stream.linear.gather [hbm4b:s10+s2], $0x620, $0x38;
	[tilespmem:$0x1B080] =	vst v63  }
0x13: {  	_ =	swait.ge [sflag:s11], $0x620  }
0x14: {  	[sflag:s11] =	ssyncset.done $0x0  }
0x15: {  	[sflag:s11] =	ssyncadd.s32 $0xFFFFF9E0  }
0x16: {  	v3 =	vld [tilespmem:$0x0];
	_ =	sdelay $0x4  }
0x17: {  	v4 =	vshll.u32 v3, $0x1  }
0x18: {  	v3 =	vand.u32 $0x7, v3;
	v4 =	vand.u32 $0xFFFFFFF0, v4  }
0x19: {  	v3 =	vor.u32 v3, v4  }
0x1a: {  	v4 =	vperm.xlane v3, v0;
	_ =	sdelay $0x1  }
0x1b: {  	v3 =	vperm.xlane v3, v2;
	v4 =	vadd.s32 v1, v4;
	_ =	sdelay $0x1  }
0x1c: {  	v3 =	vadd.s32 v1, v3;
	_ =	sdelay $0x1  }
0x1d: {  	s23 =	simm.s32 $0x6880  }
0x1e: {  	[tilespmem:s23], [sflag:$0x1] =	stream.indirect_vreg.gather [hbm4b:s3+s2], $0x80, v4, vm0, $0xb8;
	[tilespmem:$0x1B080] =	vst v63  }
0x1f: {  	s24 =	simm.s32 $0x7080  }
0x20: {  	[tilespmem:s24], [sflag:$0x1] =	stream.indirect_vreg.gather [hbm4b:s3+s2], $0x80, v3, vm0, $0xb8;
	[tilespmem:$0x1B080] =	vst v63  }
0x21: {  	v3 =	vld [tilespmem:$0x10];
	_ =	sdelay $0x4  }
0x22: {  	v58 =	vshll.u32 v3, $0x1  }
0x23: {  	v3 =	vand.u32 $0x7, v3;
	v4 =	vand.u32 $0xFFFFFFF0, v58  }
0x24: {  	v3 =	vor.u32 v3, v4  }
0x25: {  	v4 =	vperm.xlane v3, v0;
	_ =	sdelay $0x1  }
0x26: {  	v3 =	vperm.xlane v3, v2;
	v4 =	vadd.s32 v1, v4;
	_ =	sdelay $0x1  }
0x27: {  	v3 =	vadd.s32 v1, v3;
	_ =	sdelay $0x1  }
0x28: {  	s12 =	simm.s32 $0x7880  }
0x29: {  	[tilespmem:s12], [sflag:$0x1] =	stream.indirect_vreg.gather [hbm4b:s3+s2], $0x80, v4, vm0, $0xb8;
	[tilespmem:$0x1B080] =	vst v63  }
0x2a: {  	s13 =	simm.s32 $0x8080  }
0x2b: {  	[tilespmem:s13], [sflag:$0x1] =	stream.indirect_vreg.gather [hbm4b:s3+s2], $0x80, v3, vm0, $0xb8;
	[tilespmem:$0x1B080] =	vst v63  }
0x2c: {  	v3 =	vld [tilespmem:$0x20];
	_ =	sdelay $0x4  }
0x2d: {  	v59 =	vshll.u32 v3, $0x1  }
0x2e: {  	v3 =	vand.u32 $0x7, v3;
	v4 =	vand.u32 $0xFFFFFFF0, v59  }
0x2f: {  	v3 =	vor.u32 v3, v4  }
0x30: {  	v4 =	vperm.xlane v3, v0;
	_ =	sdelay $0x1  }
0x31: {  	v3 =	vperm.xlane v3, v2;
	v4 =	vadd.s32 v1, v4;
	_ =	sdelay $0x1  }
0x32: {  	v3 =	vadd.s32 v1, v3;
	_ =	sdelay $0x1  }
0x33: {  	s14 =	simm.s32 $0x8880  }
0x34: {  	[tilespmem:s14], [sflag:$0x1] =	stream.indirect_vreg.gather [hbm4b:s3+s2], $0x80, v4, vm0, $0xb8;
	[tilespmem:$0x1B080] =	vst v63  }
0x35: {  	s15 =	simm.s32 $0x9080  }
0x36: {  	[tilespmem:s15], [sflag:$0x1] =	stream.indirect_vreg.gather [hbm4b:s3+s2], $0x80, v3, vm0, $0xb8;
	[tilespmem:$0x1B080] =	vst v63  }
0x37: {  	v3 =	vld [tilespmem:$0x30];
	_ =	sdelay $0x4  }
0x38: {  	v60 =	vshll.u32 v3, $0x1  }
0x39: {  	v3 =	vand.u32 $0x7, v3;
	v4 =	vand.u32 $0xFFFFFFF0, v60  }
0x3a: {  	v3 =	vor.u32 v3, v4  }
0x3b: {  	v4 =	vperm.xlane v3, v0;
	_ =	sdelay $0x1  }
0x3c: {  	v3 =	vperm.xlane v3, v2;
	v4 =	vadd.s32 v1, v4;
	_ =	sdelay $0x1  }
0x3d: {  	v3 =	vadd.s32 v1, v3;
	_ =	sdelay $0x1  }
0x3e: {  	s16 =	simm.s32 $0x9880  }
0x3f: {  	[tilespmem:s16], [sflag:$0x1] =	stream.indirect_vreg.gather [hbm4b:s3+s2], $0x80, v4, vm0, $0xb8;
	[tilespmem:$0x1B080] =	vst v63  }
0x40: {  	s17 =	simm.s32 $0xA080  }
0x41: {  	[tilespmem:s17], [sflag:$0x1] =	stream.indirect_vreg.gather [hbm4b:s3+s2], $0x80, v3, vm0, $0xb8;
	[tilespmem:$0x1B080] =	vst v63  }
0x42: {  	v3 =	vld [tilespmem:$0x40];
	_ =	sdelay $0x4  }
0x43: {  	v61 =	vshll.u32 v3, $0x1  }
0x44: {  	v3 =	vand.u32 $0x7, v3;
	v4 =	vand.u32 $0xFFFFFFF0, v61  }
0x45: {  	v3 =	vor.u32 v3, v4  }
0x46: {  	v4 =	vperm.xlane v3, v0;
	_ =	sdelay $0x1  }
0x47: {  	v3 =	vperm.xlane v3, v2;
	v4 =	vadd.s32 v1, v4;
	_ =	sdelay $0x1  }
0x48: {  	v3 =	vadd.s32 v1, v3;
	_ =	sdelay $0x1  }
0x49: {  	s18 =	simm.s32 $0xA880  }
0x4a: {  	[tilespmem:s18], [sflag:$0x1] =	stream.indirect_vreg.gather [hbm4b:s3+s2], $0x80, v4, vm0, $0xb8;
	[tilespmem:$0x1B080] =	vst v63  }
0x4b: {  	s19 =	simm.s32 $0xB080  }
0x4c: {  	[tilespmem:s19], [sflag:$0x1] =	stream.indirect_vreg.gather [hbm4b:s3+s2], $0x80, v3, vm0, $0xb8;
	[tilespmem:$0x1B080] =	vst v63  }
0x4d: {  	v3 =	vld [tilespmem:$0x50];
	_ =	sdelay $0x4  }
0x4e: {  	v62 =	vshll.u32 v3, $0x1  }
0x4f: {  	v3 =	vand.u32 $0x7, v3;
	v4 =	vand.u32 $0xFFFFFFF0, v62  }
0x50: {  	v3 =	vor.u32 v3, v4  }
0x51: {  	v4 =	vperm.xlane v3, v0;
	_ =	sdelay $0x1  }
0x52: {  	v3 =	vperm.xlane v3, v2;
	v4 =	vadd.s32 v1, v4;
	_ =	sdelay $0x1  }
0x53: {  	v3 =	vadd.s32 v1, v3;
	_ =	sdelay $0x1  }
0x54: {  	s20 =	simm.s32 $0xB880  }
0x55: {  	[tilespmem:s20], [sflag:$0x1] =	stream.indirect_vreg.gather [hbm4b:s3+s2], $0x80, v4, vm0, $0xb8;
	[tilespmem:$0x1B080] =	vst v63  }
0x56: {  	s21 =	simm.s32 $0xC080  }
0x57: {  	[tilespmem:s21], [sflag:$0x1] =	stream.indirect_vreg.gather [hbm4b:s3+s2], $0x80, v3, vm0, $0xb8;
	[tilespmem:$0x1B080] =	vst v63  }
0x58: {  	v3 =	vld [tilespmem:$0x60];
	_ =	sdelay $0x4  }
0x59: {  	v63 =	vshll.u32 v3, $0x1  }
0x5a: {  	v3 =	vand.u32 $0x7, v3;
	v4 =	vand.u32 $0xFFFFFFF0, v63  }
0x5b: {  	v3 =	vor.u32 v3, v4  }
0x5c: {  	v4 =	vperm.xlane v3, v0;
	_ =	sdelay $0x1  }
0x5d: {  	v3 =	vperm.xlane v3, v2;
	v4 =	vadd.s32 v1, v4;
	_ =	sdelay $0x1  }
0x5e: {  	v3 =	vadd.s32 v1, v3;
	_ =	sdelay $0x1  }
0x5f: {  	s22 =	simm.s32 $0xC880  }
0x60: {  	[tilespmem:s22], [sflag:$0x1] =	stream.indirect_vreg.gather [hbm4b:s3+s2], $0x80, v4, vm0, $0xb8;
	[tilespmem:$0x1B080] =	vst v63  }
0x61: {  	s23 =	simm.s32 $0xD080  }
0x62: {  	[tilespmem:s23], [sflag:$0x1] =	stream.indirect_vreg.gather [hbm4b:s3+s2], $0x80, v3, vm0, $0xb8;
	[tilespmem:$0x1B080] =	vst v63  }
0x63: {  	s24 =	rddreg [dreg:$0x4];
	s17 =	simm.s32 $0x680  }
0x64: {  	[tilespmem:s17], [sflag:$0x3] =	stream.linear.gather [hbm4b:s24+s2], $0x6200, $0x38;
	[tilespmem:$0x1B080] =	vst v63  }
0x65: {  	_ =	swait.ge [sflag:s11], $0x6200  }
0x66: {  	[sflag:s11] =	ssyncset.done $0x0  }
0x67: {  	s12 =	simm.s32 $0x0;
	[sflag:s11] =	ssyncadd.s32 $0xFFFF9E00;
	s11 =	simm.s32 $0xD80  }
.LBB2_2:
0x68: {  	s13 =	sshllo.u32 s12, $0x1  }
0x69: {  	s10 =	smul.u32 $0x1C0, s13;
	_ =	sdelay $0x1  }
0x6a: {  	s10 =	sshra.s32 s10, $0x2  }
0x6b: {  	v3 =	vld [tilespmem:s10+$0x0];
	_ =	sdelay $0x4  }
0x6c: {  	v4 =	vshll.u32 v3, $0x1  }
0x6d: {  	v3 =	vand.u32 $0x7, v3;
	v4 =	vand.u32 $0xFFFFFFF0, v4  }
0x6e: {  	v3 =	vor.u32 v3, v4  }
0x6f: {  	v4 =	vperm.xlane v3, v0;
	_ =	sdelay $0x1  }
0x70: {  	v3 =	vperm.xlane v3, v2;
	v4 =	vadd.s32 v1, v4;
	_ =	sdelay $0x1  }
0x71: {  	v3 =	vadd.s32 v1, v3;
	_ =	sdelay $0x1  }
0x72: {  	s14 =	simm.s32 $0x0;
	s15 =	simm.s32 $0xD880  }
0x73: {  	[tilespmem:s15], [sflag:$0x2] =	stream.indirect_vreg.gather [hbm4b:s3+s14], $0x80, v4, vm0, $0xb8;
	[tilespmem:$0x1B080] =	vst v63  }
0x74: {  	s24 =	simm.s32 $0xE080  }
0x75: {  	[tilespmem:s24], [sflag:$0x2] =	stream.indirect_vreg.gather [hbm4b:s3+s14], $0x80, v3, vm0, $0xb8;
	[tilespmem:$0x1B080] =	vst v63  }
0x76: {  	v3 =	vld [tilespmem:s10+$0x10];
	_ =	sdelay $0x4  }
0x77: {  	v58 =	vshll.u32 v3, $0x1  }
0x78: {  	v3 =	vand.u32 $0x7, v3;
	v4 =	vand.u32 $0xFFFFFFF0, v58  }
0x79: {  	v3 =	vor.u32 v3, v4  }
0x7a: {  	v4 =	vperm.xlane v3, v0;
	_ =	sdelay $0x1  }
0x7b: {  	v3 =	vperm.xlane v3, v2;
	v4 =	vadd.s32 v1, v4;
	_ =	sdelay $0x1  }
0x7c: {  	v3 =	vadd.s32 v1, v3;
	_ =	sdelay $0x2  }
0x7d: {  	[tilespmem:s25], [sflag:$0x2] =	stream.indirect_vreg.gather [hbm4b:s3+s14], $0x80, v4, vm0, $0xb8;
	[tilespmem:$0x1B080] =	vst v63  }
0x7e: {  	_ = 	snop  }
0x7f: {  	[tilespmem:s26], [sflag:$0x2] =	stream.indirect_vreg.gather [hbm4b:s3+s14], $0x80, v3, vm0, $0xb8;
	[tilespmem:$0x1B080] =	vst v63  }
0x80: {  	v3 =	vld [tilespmem:s10+$0x20];
	_ =	sdelay $0x4  }
0x81: {  	v59 =	vshll.u32 v3, $0x1  }
0x82: {  	v3 =	vand.u32 $0x7, v3;
	v4 =	vand.u32 $0xFFFFFFF0, v59  }
0x83: {  	v3 =	vor.u32 v3, v4  }
0x84: {  	v4 =	vperm.xlane v3, v0;
	_ =	sdelay $0x1  }
0x85: {  	v3 =	vperm.xlane v3, v2;
	v4 =	vadd.s32 v1, v4;
	_ =	sdelay $0x1  }
0x86: {  	v3 =	vadd.s32 v1, v3;
	_ =	sdelay $0x2  }
0x87: {  	[tilespmem:s28], [sflag:$0x2] =	stream.indirect_vreg.gather [hbm4b:s3+s14], $0x80, v4, vm0, $0xb8;
	[tilespmem:$0x1B080] =	vst v63  }
0x88: {  	_ = 	snop  }
0x89: {  	[tilespmem:s29], [sflag:$0x2] =	stream.indirect_vreg.gather [hbm4b:s3+s14], $0x80, v3, vm0, $0xb8;
	[tilespmem:$0x1B080] =	vst v63  }
0x8a: {  	v3 =	vld [tilespmem:s10+$0x30];
	_ =	sdelay $0x4  }
0x8b: {  	v60 =	vshll.u32 v3, $0x1  }
0x8c: {  	v3 =	vand.u32 $0x7, v3;
	v4 =	vand.u32 $0xFFFFFFF0, v60  }
0x8d: {  	v3 =	vor.u32 v3, v4  }
0x8e: {  	v4 =	vperm.xlane v3, v0;
	_ =	sdelay $0x1  }
0x8f: {  	v3 =	vperm.xlane v3, v2;
	v4 =	vadd.s32 v1, v4;
	_ =	sdelay $0x1  }
0x90: {  	v3 =	vadd.s32 v1, v3;
	_ =	sdelay $0x2  }
0x91: {  	[tilespmem:s30], [sflag:$0x2] =	stream.indirect_vreg.gather [hbm4b:s3+s14], $0x80, v4, vm0, $0xb8;
	[tilespmem:$0x1B080] =	vst v63  }
0x92: {  	_ = 	snop  }
0x93: {  	[tilespmem:s31], [sflag:$0x2] =	stream.indirect_vreg.gather [hbm4b:s3+s14], $0x80, v3, vm0, $0xb8;
	[tilespmem:$0x1B080] =	vst v63  }
0x94: {  	v3 =	vld [tilespmem:s10+$0x40];
	_ =	sdelay $0x4  }
0x95: {  	v61 =	vshll.u32 v3, $0x1  }
0x96: {  	v3 =	vand.u32 $0x7, v3;
	v4 =	vand.u32 $0xFFFFFFF0, v61  }
0x97: {  	v3 =	vor.u32 v3, v4  }
0x98: {  	v4 =	vperm.xlane v3, v0;
	_ =	sdelay $0x1  }
0x99: {  	v3 =	vperm.xlane v3, v2;
	v4 =	vadd.s32 v1, v4;
	_ =	sdelay $0x1  }
0x9a: {  	v3 =	vadd.s32 v1, v3;
	_ =	sdelay $0x2  }
0x9b: {  	[tilespmem:s1], [sflag:$0x2] =	stream.indirect_vreg.gather [hbm4b:s3+s14], $0x80, v4, vm0, $0xb8;
	[tilespmem:$0x1B080] =	vst v63  }
0x9c: {  	_ = 	snop  }
0x9d: {  	[tilespmem:s0], [sflag:$0x2] =	stream.indirect_vreg.gather [hbm4b:s3+s14], $0x80, v3, vm0, $0xb8;
	[tilespmem:$0x1B080] =	vst v63  }
0x9e: {  	v3 =	vld [tilespmem:s10+$0x50];
	_ =	sdelay $0x4  }
0x9f: {  	v62 =	vshll.u32 v3, $0x1  }
0xa0: {  	v3 =	vand.u32 $0x7, v3;
	v4 =	vand.u32 $0xFFFFFFF0, v62  }
0xa1: {  	v3 =	vor.u32 v3, v4  }
0xa2: {  	v4 =	vperm.xlane v3, v0;
	_ =	sdelay $0x1  }
0xa3: {  	v3 =	vperm.xlane v3, v2;
	v4 =	vadd.s32 v1, v4;
	_ =	sdelay $0x1  }
0xa4: {  	v3 =	vadd.s32 v1, v3;
	_ =	sdelay $0x2  }
0xa5: {  	[tilespmem:s4], [sflag:$0x2] =	stream.indirect_vreg.gather [hbm4b:s3+s14], $0x80, v4, vm0, $0xb8;
	[tilespmem:$0x1B080] =	vst v63  }
0xa6: {  	_ = 	snop  }
0xa7: {  	[tilespmem:s5], [sflag:$0x2] =	stream.indirect_vreg.gather [hbm4b:s3+s14], $0x80, v3, vm0, $0xb8;
	[tilespmem:$0x1B080] =	vst v63  }
0xa8: {  	v3 =	vld [tilespmem:s10+$0x60];
	_ =	sdelay $0x4  }
0xa9: {  	v63 =	vshll.u32 v3, $0x1  }
0xaa: {  	v3 =	vand.u32 $0x7, v3;
	v4 =	vand.u32 $0xFFFFFFF0, v63  }
0xab: {  	v3 =	vor.u32 v3, v4  }
0xac: {  	v4 =	vperm.xlane v3, v0;
	_ =	sdelay $0x1  }
0xad: {  	v3 =	vperm.xlane v3, v2;
	v4 =	vadd.s32 v1, v4;
	_ =	sdelay $0x1  }
0xae: {  	v3 =	vadd.s32 v1, v3;
	_ =	sdelay $0x2  }
0xaf: {  	[tilespmem:s6], [sflag:$0x2] =	stream.indirect_vreg.gather [hbm4b:s3+s14], $0x80, v4, vm0, $0xb8;
	[tilespmem:$0x1B080] =	vst v63  }
0xb0: {  	_ = 	snop  }
0xb1: {  	[tilespmem:s7], [sflag:$0x2] =	stream.indirect_vreg.gather [hbm4b:s3+s14], $0x80, v3, vm0, $0xb8;
	[tilespmem:$0x1B080] =	vst v63  }
0xb2: {  	_ =	swait.ge [sflag:s8], $0x7000  }
0xb3: {  	s16 =	simm.s32 $0x0;
	s18 =	simm.s32 $0x0;
	[sflag:s8] =	ssyncset.done $0x0  }
0xb4: {  	s15 =	smul.u32 $0xE, s12;
	s10 =	smov.u32 s17;
	[sflag:s8] =	ssyncadd.s32 $0xFFFF9000  }
.LBB2_3:
0xb5: {  	s19 =	sand.u32 $0x7800, s16;
	s20 =	sand.u32 $0x380, s14  }
0xb6: {  	v4 =	vld [tilespmem:s10+$0x0];
	s22 =	sor.u32 s20, s19  }
0xb7: {  	v3 =	vld [tilespmem:s22+$0x6CF0]  }
0xb8: {  	v5 =	vld [tilespmem:s22+$0x6880]  }
0xb9: {  	v6 =	vld [tilespmem:s22+$0x6890]  }
0xba: {  	v7 =	vld [tilespmem:s22+$0x68A0]  }
0xbb: {  	v18 =	vld [tilespmem:s22+$0x6C80]  }
0xbc: {  	v19 =	vld [tilespmem:s22+$0x6C90]  }
0xbd: {  	v8 =	vld [tilespmem:s22+$0x68B0]  }
0xbe: {  	v9 =	vld [tilespmem:s22+$0x68C0]  }
0xbf: {  	v12 =	vld [tilespmem:s22+$0x68E0];
	v3 =	vmul.f32 v3, v4  }
0xc0: {  	v11 =	vld [tilespmem:s22+$0x68D0];
	v5 =	vmul.f32 v5, v4;
	v6 =	vmul.f32 v6, v4  }
0xc1: {  	v10 =	vimm.f32 $0.0e+00;
	v16 =	vld [tilespmem:s22+$0x68F0];
	v25 =	vmul.f32 v18, v4;
	v26 =	vmul.f32 v19, v4  }
0xc2: {  	v19 =	vimm.f32 $0.0e+00;
	v18 =	vimm.f32 $0.0e+00;
	v17 =	vadd.f32 v5, v10  }
0xc3: {  	v5 =	vmul.f32 v7, v4;
	v15 =	vadd.f32 v6, v10;
	v6 =	vmul.f32 v8, v4  }
0xc4: {  	v24 =	vld [tilespmem:s22+$0x6CA0];
	v3 =	vadd.f32 v3, v10;
	v7 =	vmul.f32 v9, v4;
	v8 =	vmul.f32 v12, v4  }
0xc5: {  	v22 =	vld [tilespmem:s22+$0x6CB0];
	v14 =	vadd.f32 v5, v10;
	v5 =	vmul.f32 v11, v4;
	v13 =	vadd.f32 v6, v10  }
0xc6: {  	v20 =	vld [tilespmem:s22+$0x6CC0];
	v12 =	vadd.f32 v7, v10;
	v6 =	vmul.f32 v16, v4;
	v8 =	vadd.f32 v8, v10  }
0xc7: {  	s21 =	simm.s32 $0x80;
	s19 =	sadd.s32 $0x10, s10;
	s20 =	sadd.s32 $0x100, s16;
	v21 =	vld [tilespmem:s22+$0x6CD0];
	v16 =	vimm.f32 $0.0e+00;
	v11 =	vimm.f32 $0.0e+00;
	v9 =	vadd.f32 v5, v10  }
0xc8: {  	s24 =	sand.u32 $0x380, s21;
	s21 =	simm.s32 $0x100;
	s23 =	sand.u32 $0x7800, s20;
	v23 =	vld [tilespmem:s22+$0x6CE0];
	v7 =	vadd.f32 v6, v10;
	v6 =	vimm.f32 $0.0e+00;
	v5 =	vimm.f32 $0.0e+00  }
.LBB2_4:
0xc9: {  	p0 =	sne.s32 s21, $0x780;
	v27 =	vld [tilespmem:s19+$0x0];
	s22 =	sor.u32 s24, s23;
	v10 =	vadd.f32 v25, v10;
	v24 =	vmul.f32 v24, v4  }
0xca: {  	v25 =	vld [tilespmem:s22+$0x6CF0];
	v19 =	vadd.f32 v26, v19;
	v22 =	vmul.f32 v22, v4  }
0xcb: {  	v26 =	vld [tilespmem:s22+$0x6880];
	v18 =	vadd.f32 v24, v18;
	v20 =	vmul.f32 v20, v4  }
0xcc: {  	v24 =	vld [tilespmem:s22+$0x6890];
	v16 =	vadd.f32 v22, v16;
	v21 =	vmul.f32 v21, v4  }
0xcd: {  	v22 =	vld [tilespmem:s22+$0x68A0];
	v11 =	vadd.f32 v20, v11;
	v20 =	vmul.f32 v23, v4  }
0xce: {  	v23 =	vld [tilespmem:s22+$0x68B0];
	v6 =	vadd.f32 v21, v6;
	v4 =	vmov v27  }
0xcf: {  	v21 =	vld [tilespmem:s22+$0x68C0];
	v25 =	vmul.f32 v25, v4;
	v5 =	vadd.f32 v20, v5  }
0xd0: {  	v20 =	vmul.f32 v26, v4;
	v26 =	vld [tilespmem:s22+$0x68D0]  }
0xd1: {  	v24 =	vmul.f32 v24, v4;
	v27 =	vld [tilespmem:s22+$0x68E0];
	v3 =	vadd.f32 v25, v3  }
0xd2: {  	v17 =	vadd.f32 v20, v17;
	v20 =	vmul.f32 v22, v4;
	v25 =	vld [tilespmem:s22+$0x68F0]  }
0xd3: {  	v15 =	vadd.f32 v24, v15;
	v22 =	vmul.f32 v23, v4;
	v23 =	vld [tilespmem:s22+$0x6C80]  }
0xd4: {  	v14 =	vadd.f32 v20, v14;
	v20 =	vmul.f32 v21, v4;
	v28 =	vld [tilespmem:s22+$0x6C90]  }
.Ltmp0:
0xd5: {  	v13 =	vadd.f32 v22, v13;
	v21 =	vmul.f32 v26, v4;
	v24 =	vld [tilespmem:s22+$0x6CA0];
	(pc) =	sbr.rel @p0 .LBB2_4-.Ltmp0, $4  }
0xd6: {  	v12 =	vadd.f32 v20, v12;
	v26 =	vmul.f32 v27, v4;
	v22 =	vld [tilespmem:s22+$0x6CB0]  }
0xd7: {  	v9 =	vadd.f32 v21, v9;
	v27 =	vmul.f32 v25, v4;
	v20 =	vld [tilespmem:s22+$0x6CC0]  }
0xd8: {  	s19 =	sadd.s32 $0x10, s19;
	s20 =	sadd.s32 $0x100, s20;
	v8 =	vadd.f32 v26, v8;
	v25 =	vmul.f32 v23, v4;
	v21 =	vld [tilespmem:s22+$0x6CD0]  }
0xd9: {  	s24 =	sand.u32 $0x380, s21;
	s21 =	sadd.s32 $0x80, s21;
	s23 =	sand.u32 $0x7800, s20;
	v7 =	vadd.f32 v27, v7;
	v26 =	vmul.f32 v28, v4;
	v23 =	vld [tilespmem:s22+$0x6CE0]  }
0xda: {  	v27 =	vld [tilespmem:s19+$0x0];
	s23 =	sor.u32 s24, s23  }
0xdb: {  	v28 =	vld [tilespmem:s23+$0x6CF0]  }
0xdc: {  	v29 =	vld [tilespmem:s23+$0x6880]  }
0xdd: {  	v30 =	vld [tilespmem:s23+$0x6890]  }
0xde: {  	v31 =	vld [tilespmem:s23+$0x68A0]  }
0xdf: {  	v32 =	vld [tilespmem:s23+$0x68B0]  }
0xe0: {  	v33 =	vld [tilespmem:s23+$0x68C0]  }
0xe1: {  	v34 =	vld [tilespmem:s23+$0x68D0]  }
0xe2: {  	v35 =	vld [tilespmem:s23+$0x68E0]  }
0xe3: {  	v36 =	vld [tilespmem:s23+$0x68F0]  }
0xe4: {  	v37 =	vld [tilespmem:s23+$0x6C80]  }
0xe5: {  	v38 =	vld [tilespmem:s23+$0x6C90]  }
0xe6: {  	s20 =	sadd.s32 s15, s18;
	v39 =	vld [tilespmem:s23+$0x6CA0];
	v29 =	vmul.f32 v29, v27  }
0xe7: {  	v40 =	vld [tilespmem:s23+$0x6CB0];
	s21 =	sshll.u32 s20, $0x8;
	s20 =	sshll.u32 s20, $0x7;
	v42 =	vmul.f32 v33, v27  }
0xe8: {  	v41 =	vld [tilespmem:s23+$0x6CC0];
	s21 =	sand.u32 $0xF800, s21;
	s20 =	sand.u32 $0x380, s20;
	v44 =	vmul.f32 v34, v27;
	v17 =	vadd.f32 v29, v17  }
0xe9: {  	v10 =	vadd.f32 v25, v10;
	v61 =	vld [tilespmem:s23+$0x6CD0];
	s24 =	sor.u32 s20, s21;
	v46 =	vmul.f32 v35, v27;
	v12 =	vadd.f32 v42, v12  }
0xea: {  	v63 =	vld [tilespmem:s23+$0x6CE0];
	v49 =	vmul.f32 v20, v4;
	s19 =	sadd.s32 $0x14880, s24;
	v47 =	vmul.f32 v36, v27;
	v9 =	vadd.f32 v44, v9;
	[tilespmem:s24+$0x14880] =	vst v17  }
0xeb: {  	v19 =	vadd.f32 v26, v19;
	v48 =	vmul.f32 v37, v27;
	v8 =	vadd.f32 v46, v8;
	[tilespmem:s19+$0x40] =	vst v12  }
0xec: {  	v53 =	vadd.f32 v49, v11;
	v50 =	vmul.f32 v38, v27;
	v7 =	vadd.f32 v47, v7;
	[tilespmem:s19+$0x50] =	vst v9  }
0xed: {  	v60 =	vmul.f32 v31, v27;
	v58 =	vmul.f32 v41, v27;
	v10 =	vadd.f32 v48, v10;
	[tilespmem:s19+$0x60] =	vst v8  }
0xee: {  	v51 =	vmul.f32 v21, v4;
	v30 =	vmul.f32 v30, v27;
	v54 =	vadd.f32 v50, v19;
	[tilespmem:s19+$0x70] =	vst v7  }
0xef: {  	v14 =	vadd.f32 v60, v14;
	v60 =	vmul.f32 v61, v27;
	v61 =	vadd.f32 v58, v53;
	[tilespmem:s19+$0x400] =	vst v10  }
0xf0: {  	v56 =	vmul.f32 v23, v4;
	v62 =	vmul.f32 v32, v27;
	v15 =	vadd.f32 v30, v15;
	[tilespmem:s19+$0x410] =	vst v54  }
0xf1: {  	v43 =	vmul.f32 v24, v4;
	v45 =	vmul.f32 v22, v4;
	v6 =	vadd.f32 v51, v6;
	[tilespmem:s19+$0x440] =	vst v61  }
0xf2: {  	v4 =	vadd.f32 v56, v5;
	v13 =	vadd.f32 v62, v13;
	v62 =	vmul.f32 v63, v27;
	[tilespmem:s19+$0x10] =	vst v15  }
0xf3: {  	s18 =	sadd.s32 $0x1, s18;
	v63 =	vmul.f32 v28, v27;
	v6 =	vadd.f32 v60, v6;
	[tilespmem:s19+$0x20] =	vst v14  }
0xf4: {  	p0 =	sne.s32 s18, $0x7;
	v52 =	vmul.f32 v39, v27;
	v4 =	vadd.f32 v62, v4;
	v15 =	vadd.f32 v43, v18;
	[tilespmem:s19+$0x30] =	vst v13  }
.Ltmp1:
0xf5: {  	v55 =	vmul.f32 v40, v27;
	v3 =	vadd.f32 v63, v3;
	v14 =	vadd.f32 v45, v16;
	[tilespmem:s19+$0x450] =	vst v6;
	(pc) =	sbr.rel @p0 .LBB2_3-.Ltmp1, $4  }
0xf6: {  	[tilespmem:s19+$0x460] =	vst v4;
	v57 =	vadd.f32 v52, v15  }
0xf7: {  	[tilespmem:s19+$0x470] =	vst v3;
	v59 =	vadd.f32 v55, v14  }
0xf8: {  	[tilespmem:s19+$0x420] =	vst v57  }
0xf9: {  	s10 =	sadd.s32 $0x100, s10;
	s16 =	sadd.s32 $0x1000, s16;
	[tilespmem:s19+$0x430] =	vst v59  }
0xfa: {  	p0 =	seq.s32 s12, $0x6  }
.Ltmp2:
0xfb: {  	_ = 	snop;
	(pc) =	sbr.rel @p0 .LBB2_8-.Ltmp2, $1  }
0xfc: {  	_ =	sdelay $0x3  }
0xfd: {  	s10 =	smul.u32 $0x380, s12;
	_ =	sdelay $0x1  }
0xfe: {  	s10 =	sshra.s32 s10, $0x2  }
0xff: {  	v3 =	vld [tilespmem:s10+$0xE0];
	_ =	sdelay $0x4  }
0x100: {  	v4 =	vshll.u32 v3, $0x1  }
0x101: {  	v3 =	vand.u32 $0x7, v3;
	v4 =	vand.u32 $0xFFFFFFF0, v4  }
0x102: {  	v3 =	vor.u32 v3, v4  }
0x103: {  	v4 =	vperm.xlane v3, v0;
	_ =	sdelay $0x1  }
0x104: {  	v3 =	vperm.xlane v3, v2;
	v4 =	vadd.s32 v1, v4;
	_ =	sdelay $0x1  }
0x105: {  	v3 =	vadd.s32 v1, v3;
	_ =	sdelay $0x1  }
0x106: {  	s14 =	simm.s32 $0x6880  }
0x107: {  	[tilespmem:s14], [sflag:$0x1] =	stream.indirect_vreg.gather [hbm4b:s3+s2], $0x80, v4, vm0, $0xb8;
	[tilespmem:$0x1B080] =	vst v63  }
0x108: {  	s21 =	simm.s32 $0x7080  }
0x109: {  	[tilespmem:s21], [sflag:$0x1] =	stream.indirect_vreg.gather [hbm4b:s3+s2], $0x80, v3, vm0, $0xb8;
	[tilespmem:$0x1B080] =	vst v63  }
0x10a: {  	v3 =	vld [tilespmem:s10+$0xF0];
	_ =	sdelay $0x4  }
0x10b: {  	v58 =	vshll.u32 v3, $0x1  }
0x10c: {  	v3 =	vand.u32 $0x7, v3;
	v4 =	vand.u32 $0xFFFFFFF0, v58  }
0x10d: {  	v3 =	vor.u32 v3, v4  }
0x10e: {  	v4 =	vperm.xlane v3, v0;
	_ =	sdelay $0x1  }
0x10f: {  	v3 =	vperm.xlane v3, v2;
	v4 =	vadd.s32 v1, v4;
	_ =	sdelay $0x1  }
0x110: {  	v3 =	vadd.s32 v1, v3;
	_ =	sdelay $0x1  }
0x111: {  	s22 =	simm.s32 $0x7880  }
0x112: {  	[tilespmem:s22], [sflag:$0x1] =	stream.indirect_vreg.gather [hbm4b:s3+s2], $0x80, v4, vm0, $0xb8;
	[tilespmem:$0x1B080] =	vst v63  }
0x113: {  	s23 =	simm.s32 $0x8080  }
0x114: {  	[tilespmem:s23], [sflag:$0x1] =	stream.indirect_vreg.gather [hbm4b:s3+s2], $0x80, v3, vm0, $0xb8;
	[tilespmem:$0x1B080] =	vst v63  }
0x115: {  	v3 =	vld [tilespmem:s10+$0x100];
	_ =	sdelay $0x4  }
0x116: {  	v59 =	vshll.u32 v3, $0x1  }
0x117: {  	v3 =	vand.u32 $0x7, v3;
	v4 =	vand.u32 $0xFFFFFFF0, v59  }
0x118: {  	v3 =	vor.u32 v3, v4  }
0x119: {  	v4 =	vperm.xlane v3, v0;
	_ =	sdelay $0x1  }
0x11a: {  	v3 =	vperm.xlane v3, v2;
	v4 =	vadd.s32 v1, v4;
	_ =	sdelay $0x1  }
0x11b: {  	v3 =	vadd.s32 v1, v3;
	_ =	sdelay $0x1  }
0x11c: {  	s24 =	simm.s32 $0x8880  }
0x11d: {  	[tilespmem:s24], [sflag:$0x1] =	stream.indirect_vreg.gather [hbm4b:s3+s2], $0x80, v4, vm0, $0xb8;
	[tilespmem:$0x1B080] =	vst v63  }
0x11e: {  	s15 =	simm.s32 $0x9080  }
0x11f: {  	[tilespmem:s15], [sflag:$0x1] =	stream.indirect_vreg.gather [hbm4b:s3+s2], $0x80, v3, vm0, $0xb8;
	[tilespmem:$0x1B080] =	vst v63  }
0x120: {  	v3 =	vld [tilespmem:s10+$0x110];
	_ =	sdelay $0x4  }
0x121: {  	v60 =	vshll.u32 v3, $0x1  }
0x122: {  	v3 =	vand.u32 $0x7, v3;
	v4 =	vand.u32 $0xFFFFFFF0, v60  }
0x123: {  	v3 =	vor.u32 v3, v4  }
0x124: {  	v4 =	vperm.xlane v3, v0;
	_ =	sdelay $0x1  }
0x125: {  	v3 =	vperm.xlane v3, v2;
	v4 =	vadd.s32 v1, v4;
	_ =	sdelay $0x1  }
0x126: {  	v3 =	vadd.s32 v1, v3;
	_ =	sdelay $0x1  }
0x127: {  	s16 =	simm.s32 $0x9880  }
0x128: {  	[tilespmem:s16], [sflag:$0x1] =	stream.indirect_vreg.gather [hbm4b:s3+s2], $0x80, v4, vm0, $0xb8;
	[tilespmem:$0x1B080] =	vst v63  }
0x129: {  	s18 =	simm.s32 $0xA080  }
0x12a: {  	[tilespmem:s18], [sflag:$0x1] =	stream.indirect_vreg.gather [hbm4b:s3+s2], $0x80, v3, vm0, $0xb8;
	[tilespmem:$0x1B080] =	vst v63  }
0x12b: {  	v3 =	vld [tilespmem:s10+$0x120];
	_ =	sdelay $0x4  }
0x12c: {  	v61 =	vshll.u32 v3, $0x1  }
0x12d: {  	v3 =	vand.u32 $0x7, v3;
	v4 =	vand.u32 $0xFFFFFFF0, v61  }
0x12e: {  	v3 =	vor.u32 v3, v4  }
0x12f: {  	v4 =	vperm.xlane v3, v0;
	_ =	sdelay $0x1  }
0x130: {  	v3 =	vperm.xlane v3, v2;
	v4 =	vadd.s32 v1, v4;
	_ =	sdelay $0x1  }
0x131: {  	v3 =	vadd.s32 v1, v3;
	_ =	sdelay $0x1  }
0x132: {  	s19 =	simm.s32 $0xA880  }
0x133: {  	[tilespmem:s19], [sflag:$0x1] =	stream.indirect_vreg.gather [hbm4b:s3+s2], $0x80, v4, vm0, $0xb8;
	[tilespmem:$0x1B080] =	vst v63  }
0x134: {  	s20 =	simm.s32 $0xB080  }
0x135: {  	[tilespmem:s20], [sflag:$0x1] =	stream.indirect_vreg.gather [hbm4b:s3+s2], $0x80, v3, vm0, $0xb8;
	[tilespmem:$0x1B080] =	vst v63  }
0x136: {  	v3 =	vld [tilespmem:s10+$0x130];
	_ =	sdelay $0x4  }
0x137: {  	v62 =	vshll.u32 v3, $0x1  }
0x138: {  	v3 =	vand.u32 $0x7, v3;
	v4 =	vand.u32 $0xFFFFFFF0, v62  }
0x139: {  	v3 =	vor.u32 v3, v4  }
0x13a: {  	v4 =	vperm.xlane v3, v0;
	_ =	sdelay $0x1  }
0x13b: {  	v3 =	vperm.xlane v3, v2;
	v4 =	vadd.s32 v1, v4;
	_ =	sdelay $0x1  }
0x13c: {  	v3 =	vadd.s32 v1, v3;
	_ =	sdelay $0x1  }
0x13d: {  	s21 =	simm.s32 $0xB880  }
0x13e: {  	[tilespmem:s21], [sflag:$0x1] =	stream.indirect_vreg.gather [hbm4b:s3+s2], $0x80, v4, vm0, $0xb8;
	[tilespmem:$0x1B080] =	vst v63  }
0x13f: {  	s22 =	simm.s32 $0xC080  }
0x140: {  	[tilespmem:s22], [sflag:$0x1] =	stream.indirect_vreg.gather [hbm4b:s3+s2], $0x80, v3, vm0, $0xb8;
	[tilespmem:$0x1B080] =	vst v63  }
0x141: {  	v3 =	vld [tilespmem:s10+$0x140];
	_ =	sdelay $0x4  }
0x142: {  	v63 =	vshll.u32 v3, $0x1  }
0x143: {  	v3 =	vand.u32 $0x7, v3;
	v4 =	vand.u32 $0xFFFFFFF0, v63  }
0x144: {  	v3 =	vor.u32 v3, v4  }
0x145: {  	v4 =	vperm.xlane v3, v0;
	_ =	sdelay $0x1  }
0x146: {  	v3 =	vperm.xlane v3, v2;
	v4 =	vadd.s32 v1, v4;
	_ =	sdelay $0x1  }
0x147: {  	v3 =	vadd.s32 v1, v3;
	_ =	sdelay $0x1  }
0x148: {  	s23 =	simm.s32 $0xC880  }
0x149: {  	[tilespmem:s23], [sflag:$0x1] =	stream.indirect_vreg.gather [hbm4b:s3+s2], $0x80, v4, vm0, $0xb8;
	[tilespmem:$0x1B080] =	vst v63  }
0x14a: {  	s24 =	simm.s32 $0xD080  }
0x14b: {  	[tilespmem:s24], [sflag:$0x1] =	stream.indirect_vreg.gather [hbm4b:s3+s2], $0x80, v3, vm0, $0xb8;
	[tilespmem:$0x1B080] =	vst v63  }
.LBB2_8:
0x14c: {  	_ =	swait.ge [sflag:s9], $0x7000;
	s13 =	smul.u32 $0x7, s13  }
0x14d: {  	s14 =	simm.s32 $0x0;
	s15 =	simm.s32 $0x0;
	[sflag:s9] =	ssyncset.done $0x0  }
0x14e: {  	s10 =	smov.u32 s11;
	s16 =	simm.s32 $0x0;
	[sflag:s9] =	ssyncadd.s32 $0xFFFF9000  }
.LBB2_9:
0x14f: {  	s18 =	sand.u32 $0x7800, s15;
	s19 =	sand.u32 $0x380, s14  }
0x150: {  	v4 =	vld [tilespmem:s10+$0x0];
	s21 =	sor.u32 s19, s18  }
0x151: {  	v3 =	vld [tilespmem:s21+$0xDCF0]  }
0x152: {  	v5 =	vld [tilespmem:s21+$0xD880]  }
0x153: {  	v6 =	vld [tilespmem:s21+$0xD890]  }
0x154: {  	v7 =	vld [tilespmem:s21+$0xD8A0]  }
0x155: {  	v18 =	vld [tilespmem:s21+$0xDC80]  }
0x156: {  	v19 =	vld [tilespmem:s21+$0xDC90]  }
0x157: {  	v8 =	vld [tilespmem:s21+$0xD8B0]  }
0x158: {  	v9 =	vld [tilespmem:s21+$0xD8C0]  }
0x159: {  	v12 =	vld [tilespmem:s21+$0xD8E0];
	v3 =	vmul.f32 v3, v4  }
0x15a: {  	v11 =	vld [tilespmem:s21+$0xD8D0];
	v5 =	vmul.f32 v5, v4;
	v6 =	vmul.f32 v6, v4  }
0x15b: {  	v10 =	vimm.f32 $0.0e+00;
	v16 =	vld [tilespmem:s21+$0xD8F0];
	v25 =	vmul.f32 v18, v4;
	v26 =	vmul.f32 v19, v4  }
0x15c: {  	v19 =	vimm.f32 $0.0e+00;
	v18 =	vimm.f32 $0.0e+00;
	v17 =	vadd.f32 v5, v10  }
0x15d: {  	v5 =	vmul.f32 v7, v4;
	v15 =	vadd.f32 v6, v10;
	v6 =	vmul.f32 v8, v4  }
0x15e: {  	v24 =	vld [tilespmem:s21+$0xDCA0];
	v3 =	vadd.f32 v3, v10;
	v7 =	vmul.f32 v9, v4;
	v8 =	vmul.f32 v12, v4  }
0x15f: {  	v22 =	vld [tilespmem:s21+$0xDCB0];
	v14 =	vadd.f32 v5, v10;
	v5 =	vmul.f32 v11, v4;
	v13 =	vadd.f32 v6, v10  }
0x160: {  	v20 =	vld [tilespmem:s21+$0xDCC0];
	v12 =	vadd.f32 v7, v10;
	v6 =	vmul.f32 v16, v4;
	v8 =	vadd.f32 v8, v10  }
0x161: {  	s20 =	simm.s32 $0x80;
	s18 =	sadd.s32 $0x10, s10;
	s19 =	sadd.s32 $0x100, s15;
	v21 =	vld [tilespmem:s21+$0xDCD0];
	v16 =	vimm.f32 $0.0e+00;
	v11 =	vimm.f32 $0.0e+00;
	v9 =	vadd.f32 v5, v10  }
0x162: {  	s23 =	sand.u32 $0x380, s20;
	s20 =	simm.s32 $0x100;
	s22 =	sand.u32 $0x7800, s19;
	v23 =	vld [tilespmem:s21+$0xDCE0];
	v7 =	vadd.f32 v6, v10;
	v6 =	vimm.f32 $0.0e+00;
	v5 =	vimm.f32 $0.0e+00  }
.LBB2_10:
0x163: {  	p0 =	sne.s32 s20, $0x780;
	v27 =	vld [tilespmem:s18+$0x0];
	s21 =	sor.u32 s23, s22;
	v10 =	vadd.f32 v25, v10;
	v24 =	vmul.f32 v24, v4  }
0x164: {  	v25 =	vld [tilespmem:s21+$0xDCF0];
	v19 =	vadd.f32 v26, v19;
	v22 =	vmul.f32 v22, v4  }
0x165: {  	v26 =	vld [tilespmem:s21+$0xD880];
	v18 =	vadd.f32 v24, v18;
	v20 =	vmul.f32 v20, v4  }
0x166: {  	v24 =	vld [tilespmem:s21+$0xD890];
	v16 =	vadd.f32 v22, v16;
	v21 =	vmul.f32 v21, v4  }
0x167: {  	v22 =	vld [tilespmem:s21+$0xD8A0];
	v11 =	vadd.f32 v20, v11;
	v20 =	vmul.f32 v23, v4  }
0x168: {  	v23 =	vld [tilespmem:s21+$0xD8B0];
	v6 =	vadd.f32 v21, v6;
	v4 =	vmov v27  }
0x169: {  	v21 =	vld [tilespmem:s21+$0xD8C0];
	v25 =	vmul.f32 v25, v4;
	v5 =	vadd.f32 v20, v5  }
0x16a: {  	v20 =	vmul.f32 v26, v4;
	v26 =	vld [tilespmem:s21+$0xD8D0]  }
0x16b: {  	v24 =	vmul.f32 v24, v4;
	v27 =	vld [tilespmem:s21+$0xD8E0];
	v3 =	vadd.f32 v25, v3  }
0x16c: {  	v17 =	vadd.f32 v20, v17;
	v20 =	vmul.f32 v22, v4;
	v25 =	vld [tilespmem:s21+$0xD8F0]  }
0x16d: {  	v15 =	vadd.f32 v24, v15;
	v22 =	vmul.f32 v23, v4;
	v23 =	vld [tilespmem:s21+$0xDC80]  }
0x16e: {  	v14 =	vadd.f32 v20, v14;
	v20 =	vmul.f32 v21, v4;
	v28 =	vld [tilespmem:s21+$0xDC90]  }
.Ltmp3:
0x16f: {  	v13 =	vadd.f32 v22, v13;
	v21 =	vmul.f32 v26, v4;
	v24 =	vld [tilespmem:s21+$0xDCA0];
	(pc) =	sbr.rel @p0 .LBB2_10-.Ltmp3, $4  }
0x170: {  	v12 =	vadd.f32 v20, v12;
	v26 =	vmul.f32 v27, v4;
	v22 =	vld [tilespmem:s21+$0xDCB0]  }
0x171: {  	v9 =	vadd.f32 v21, v9;
	v27 =	vmul.f32 v25, v4;
	v20 =	vld [tilespmem:s21+$0xDCC0]  }
0x172: {  	s18 =	sadd.s32 $0x10, s18;
	s19 =	sadd.s32 $0x100, s19;
	v8 =	vadd.f32 v26, v8;
	v25 =	vmul.f32 v23, v4;
	v21 =	vld [tilespmem:s21+$0xDCD0]  }
0x173: {  	s23 =	sand.u32 $0x380, s20;
	s20 =	sadd.s32 $0x80, s20;
	s22 =	sand.u32 $0x7800, s19;
	v7 =	vadd.f32 v27, v7;
	v26 =	vmul.f32 v28, v4;
	v23 =	vld [tilespmem:s21+$0xDCE0]  }
0x174: {  	v27 =	vld [tilespmem:s18+$0x0];
	s23 =	sor.u32 s23, s22  }
0x175: {  	v28 =	vld [tilespmem:s23+$0xDCF0]  }
0x176: {  	v29 =	vld [tilespmem:s23+$0xD880]  }
0x177: {  	v30 =	vld [tilespmem:s23+$0xD890]  }
0x178: {  	v31 =	vld [tilespmem:s23+$0xD8A0]  }
0x179: {  	v32 =	vld [tilespmem:s23+$0xD8B0]  }
0x17a: {  	v33 =	vld [tilespmem:s23+$0xD8C0]  }
0x17b: {  	v34 =	vld [tilespmem:s23+$0xD8D0]  }
0x17c: {  	v35 =	vld [tilespmem:s23+$0xD8E0]  }
0x17d: {  	v36 =	vld [tilespmem:s23+$0xD8F0]  }
0x17e: {  	v37 =	vld [tilespmem:s23+$0xDC80]  }
0x17f: {  	v38 =	vld [tilespmem:s23+$0xDC90]  }
0x180: {  	s19 =	sadd.s32 s13, s16;
	v39 =	vld [tilespmem:s23+$0xDCA0];
	v29 =	vmul.f32 v29, v27  }
0x181: {  	v40 =	vld [tilespmem:s23+$0xDCB0];
	s20 =	sshll.u32 s19, $0x8;
	s19 =	sshll.u32 s19, $0x7;
	v42 =	vmul.f32 v33, v27  }
0x182: {  	v41 =	vld [tilespmem:s23+$0xDCC0];
	s20 =	sand.u32 $0x7FFFF800, s20;
	s19 =	sand.u32 $0x380, s19;
	v44 =	vmul.f32 v34, v27;
	v17 =	vadd.f32 v29, v17  }
0x183: {  	v10 =	vadd.f32 v25, v10;
	v61 =	vld [tilespmem:s23+$0xDCD0];
	s24 =	sor.u32 s19, s20;
	v46 =	vmul.f32 v35, v27;
	v12 =	vadd.f32 v42, v12  }
0x184: {  	v63 =	vld [tilespmem:s23+$0xDCE0];
	v49 =	vmul.f32 v20, v4;
	s18 =	sadd.s32 $0x14880, s24;
	v47 =	vmul.f32 v36, v27;
	v9 =	vadd.f32 v44, v9;
	[tilespmem:s24+$0x14880] =	vst v17  }
0x185: {  	v19 =	vadd.f32 v26, v19;
	v48 =	vmul.f32 v37, v27;
	v8 =	vadd.f32 v46, v8;
	[tilespmem:s18+$0x40] =	vst v12  }
0x186: {  	v53 =	vadd.f32 v49, v11;
	v50 =	vmul.f32 v38, v27;
	v7 =	vadd.f32 v47, v7;
	[tilespmem:s18+$0x50] =	vst v9  }
0x187: {  	v60 =	vmul.f32 v31, v27;
	v58 =	vmul.f32 v41, v27;
	v10 =	vadd.f32 v48, v10;
	[tilespmem:s18+$0x60] =	vst v8  }
0x188: {  	v51 =	vmul.f32 v21, v4;
	v30 =	vmul.f32 v30, v27;
	v54 =	vadd.f32 v50, v19;
	[tilespmem:s18+$0x70] =	vst v7  }
0x189: {  	v14 =	vadd.f32 v60, v14;
	v60 =	vmul.f32 v61, v27;
	v61 =	vadd.f32 v58, v53;
	[tilespmem:s18+$0x400] =	vst v10  }
0x18a: {  	v56 =	vmul.f32 v23, v4;
	v62 =	vmul.f32 v32, v27;
	v15 =	vadd.f32 v30, v15;
	[tilespmem:s18+$0x410] =	vst v54  }
0x18b: {  	v43 =	vmul.f32 v24, v4;
	v45 =	vmul.f32 v22, v4;
	v6 =	vadd.f32 v51, v6;
	[tilespmem:s18+$0x440] =	vst v61  }
0x18c: {  	v4 =	vadd.f32 v56, v5;
	v13 =	vadd.f32 v62, v13;
	v62 =	vmul.f32 v63, v27;
	[tilespmem:s18+$0x10] =	vst v15  }
0x18d: {  	s16 =	sadd.s32 $0x1, s16;
	v63 =	vmul.f32 v28, v27;
	v6 =	vadd.f32 v60, v6;
	[tilespmem:s18+$0x20] =	vst v14  }
0x18e: {  	p0 =	sne.s32 s16, $0x7;
	v52 =	vmul.f32 v39, v27;
	v4 =	vadd.f32 v62, v4;
	v15 =	vadd.f32 v43, v18;
	[tilespmem:s18+$0x30] =	vst v13  }
.Ltmp4:
0x18f: {  	v55 =	vmul.f32 v40, v27;
	v3 =	vadd.f32 v63, v3;
	v14 =	vadd.f32 v45, v16;
	[tilespmem:s18+$0x450] =	vst v6;
	(pc) =	sbr.rel @p0 .LBB2_9-.Ltmp4, $4  }
0x190: {  	[tilespmem:s18+$0x460] =	vst v4;
	v57 =	vadd.f32 v52, v15  }
0x191: {  	[tilespmem:s18+$0x470] =	vst v3;
	v59 =	vadd.f32 v55, v14  }
0x192: {  	[tilespmem:s18+$0x420] =	vst v57  }
0x193: {  	s10 =	sadd.s32 $0x100, s10;
	s15 =	sadd.s32 $0x1000, s15;
	[tilespmem:s18+$0x430] =	vst v59  }
0x194: {  	s12 =	sadd.s32 $0x1, s12  }
0x195: {  	p0 =	sne.s32 s12, $0x7  }
.Ltmp5:
0x196: {  	_ = 	snop;
	(pc) =	sbr.rel @p0 .LBB2_2-.Ltmp5, $2  }
0x197: {  	_ =	sdelay $0x2  }
0x198: {  	s17 =	sadd.s32 $0xE00, s17;
	s11 =	sadd.s32 $0xE00, s11  }
0x199: {  	s10 =	rddreg [dreg:$0x5];
	s11 =	simm.s32 $0x14880  }
0x19a: {  	[hbm4b:s10+s2] =	stream.linear.scatter [tilespmem:s11], [sflag:$0x3], $0x6800, $0x38;
	[tilespmem:$0x1B080] =	vst v63  }
0x19b: {  	s11 =	simm.s32 $0x3  }
0x19c: {  	_ =	swait.ge [sflag:s11], $0x6800  }
0x19d: {  	s12 =	rddreg [dreg:$0x7]  }
0x19e: {  	s24 =	rddreg [dreg:$0x6];
	s12 =	sadd.s32 $0x1, s12  }
0x19f: {  	p0 =	sne.s32 s12, s24  }
.Ltmp6:
0x1a0: {  	_ = 	snop;
	(pc) =	sbr.rel @p0 .LBB2_1-.Ltmp6, $3  }
0x1a1: {  	_ =	sdelay $0x1  }
0x1a2: {  	[sflag:s11] =	ssyncset.done $0x0  }
0x1a3: {  	[sflag:s11] =	ssyncadd.s32 $0xFFFF9800  }
0x1a4: {  	_ =	sfence.sel $0x180000  }
0x1a5: {  	[bflag:$0x0] =	sbarrier.arrive $0xFFFF  }
0x1a6: {  	_ =	strace $0x9000004A  }
0x1a7: {  	s0 =	stileid.u32;
	[bflag:$0x2] =	sbarrier.arrive $0xFFFF  }
0x1a8: {  	p0 =	sne.s32 s0, $0x0;
	s0 =	rddreg [dreg:$0x2]  }
0x1a9: {  	s0 =	sadd.s32 @!p0 $0x100000, s0  }
0x1aa: {  	[sflag:s0] =	ssyncadd.tile.s32 @!p0 $0x1;
	_ =	shalt  }
.Lfunc_end2:
_tile_overlayer_lowered:
.L_overlay_start_2:
0x1ab: {  	(tag) =	ssettag $0x2  }
0x1ac: {  	s0 =	rddreg [dreg:$0x0];
	s2 =	stileid.u32  }
0x1ad: {  	s1 =	rddreg [dreg:$0x1];
	p0 =	sne.s32 s2, $0x0  }
0x1ae: {  	s3 =	rddreg [dreg:$0x2];
	[bflag:$0x3] =	sbarrier.arrive $0xFFFF;
	s2 =	simm.s32 @!p0 $0x1C03  }
0x1af: {  	[timem:s3], [sflag:s2] =	dma.local @!p0 [hbm:s0], s1  }
0x1b0: {  	s0 =	simm.s32 @!p0 $0x3  }
0x1b1: {  	_ =	swait.ge @!p0 [sflag:s0], s1  }
0x1b2: {  	s1 =	ssub.s32 @!p0 $0x0, s1;
	[sflag:s0] =	ssyncset.done @!p0 $0x0  }
0x1b3: {  	[sflag:s0] =	ssyncadd.s32 @!p0 s1  }
0x1b4: {  	[bflag:$0x3] =	sbarrier.arrive $0xFFFF  }
0x1b5: {  	_ =	shalt  }

// kernel: sparse-core-data-format-call.cloned.1.call-start
scs
called_computation_lowered:
.L_overlay_start_0:
0x0: {  	s2 =	sld [smem:$0x3FD9]  }
0x1: {  	s3 =	sld [smem:$0x3FFE];
	_ =	sdelay $0x1  }
0x2: {  	s1 =	srdreg.scid  }
0x3: {  	s0 =	sand.u32 $0x1, s1  }
0x4: {  	s18 =	sshll.u32 s0, $0xA;
	s2 =	sadd.s32 s3, s2  }
0x5: {  	s2 =	sadd.s32 s2, s18  }
0x6: {  	[smem:$0x3FC5] =	sst s2  }
0x7: {  	_ = 	snop  }
0x8: {  	s2 =	sld [smem:$0x3FC9];
	(tm) =	ssettm $0x1  }
0x9: {  	s19 =	sld [smem:$0x3FFB];
	_ =	sdelay $0x3  }
0xa: {  	_ =	strace s19  }
0xb: {  	s3 =	sld [smem:$0x3FFC];
	_ =	sdelay $0x3  }
0xc: {  	_ =	strace s3  }
0xd: {  	s3 =	sld [smem:$0x3FFD];
	_ =	sdelay $0x3  }
0xe: {  	_ =	strace s3  }
0xf: {  	_ =	strace $0x8FFFFFFF  }
0x10: {  	s20 =	sld [smem:$0x3FDB];
	_ =	sdelay $0x1  }
0x11: {  	s4 =	simm.s32 $_scs_section_size  }
0x12: {  	s5 =	simm.s32 $_size__tile_overlayer_lowered;
	s6 =	simm.s32 $_tile_overlayer_lowered  }
0x13: {  	s23 =	simm.s32 $0x1BFF;
	s22 =	sshll.u32 s6, $0x1;
	s3 =	sadd.s32 s4, s20  }
0x14: {  	s7 =	simm.s32 $0x0;
	s21 =	sshll.u32 s5, $0x1;
	s5 =	sadd.s32 s22, s3  }
0x15: {  	[timem:s7], [sflag:s23] =	dma.local [hbm:s5], s21  }
0x16: {  	_ =	swait.ge [sflag:s23], s21  }
0x17: {  	s4 =	ssub.s32 $0x0, s21;
	[sflag:s23] =	ssyncset.done $0x0  }
0x18: {  	[sflag:s23] =	ssyncadd.s32 s4;
	_ =	sdelay $0x1  }
0x19: {  	s24 =	simm.s32 $0x1B8B  }
0x1a: {  	_ =	swait.ge [sflag:s24], $0x1  }
0x1b: {  	[sflag:s24] =	ssyncset.done $0x0  }
0x1c: {  	s26 =	simm.s32 $0x1B8E;
	s25 =	sld [smem:$0x3FFE];
	[sflag:s24] =	ssyncadd.s32 $0xFFFFFFFF  }
0x1d: {  	s27 =	simm.s32 $execute0_lowered;
	[smem:$0x3FD2] =	sst s26  }
0x1e: {  	s5 =	sshll.u32 s27, $0x1;
	_ =	strace $0x80000046;
	[dreg:$0x1] =	wrdreg $0xFFFFFFFF  }
0x1f: {  	s28 =	simm.s32 $_size_execute0_lowered;
	s3 =	sadd.s32 s3, s5;
	[dreg:$0x0] =	wrdreg $0x0  }
0x20: {  	s5 =	sshll.u32 s28, $0x1;
	[dreg:$0x2] =	wrdreg s3  }
0x21: {  	[dreg:$0x3] =	wrdreg s5  }
0x22: {  	[dreg:$0x4] =	wrdreg $0xC0  }
0x23: {  	_ =	task [dreg:s7], $0x5FFFF  }
0x24: {  	[dreg:$0x1] =	wrdreg $0xFFFFFFFF  }
0x25: {  	[dreg:$0x0] =	wrdreg $0x60  }
0x26: {  	[dreg:$0x2] =	wrdreg s2  }
0x27: {  	[dreg:$0x3] =	wrdreg s25  }
0x28: {  	[dreg:$0x4] =	wrdreg $0x9  }
0x29: {  	_ =	task.clear_ibuf [dreg:s7], $0x5FFFF;
	_ =	strace $0x90000046  }
0x2a: {  	s29 =	simm.s32 $0x9;
	_ =	strace $0x80000048  }
0x2b: {  	_ =	swait.ge [sflag:s29], $0x1  }
0x2c: {  	[sflag:s29] =	ssyncadd.s32 $0xFFFFFFFF  }
0x2d: {  	_ =	strace $0x90000048  }
0x2e: {  	_ =	sfence  }
0x2f: {  	s30 =	sld [smem:$0x0];
	_ =	sdelay $0x2  }
0x30: {  	s31 =	sshll.u32 s1, $0xD;
	s1 =	sshrl.u32 s1, $0x2  }
0x31: {  	s3 =	sand.u32 $0x4000, s31;
	s1 =	sadd.s32 s1, s30  }
0x32: {  	s0 =	sor.u32 s3, s0;
	s1 =	sshll.u32 s1, $0x11  }
0x33: {  	s0 =	sor.u32 s1, s0  }
0x34: {  	s0 =	sadd.s32 $0x8F2B, s0  }
0x35: {  	[sflag:s0] =	ssyncadd.remote.s32 $0x1  }
0x36: {  	_ =	sfence.sel $0xFFFF  }
0x37: {  	[dreg:$0x0] =	wrdreg $0xFFFFFFFF;
	(pc) =	sbr.abs _section_cstart, $3  }
0x38: {  	[dreg:$0x1] =	wrdreg $0xFFFFFFFF  }
0x39: {  	_ =	task.clear_ibuf [dreg:s7], $0x2FFFF;
	_ =	strace $0x9FFFFFFF  }
0x3a: {  	(tm) =	ssettm $0x7FFFFFFF  }
0x3b: {  	_ =	shalt  }
tec
execute0_lowered:
.L_overlay_start_1:
0x0: {  	(tag) =	ssettag $0x1  }
0x1: {  	s2 =	rddreg [dreg:$0x0]  }
0x2: {  	s0 =	stileid.u32;
	s4 =	rddreg [dreg:$0x1]  }
0x3: {  	s1 =	rddreg [dreg:$0x2];
	s5 =	srdreg.scid  }
0x4: {  	_ =	strace $0x80000047;
	s31 =	simm.s32 $0x2;
	s16 =	simm.s32 $0x0  }
0x5: {  	p0 =	por $0x0, $0x0;
	s10 =	simm.s32 $0x800;
	s15 =	simm.s32 $0x0  }
0x6: {  	s17 =	simm.s32 $0x0;
	s3 =	sshll.u32 s0, $0x5;
	s5 =	sshll.u32 s5, $0x4  }
0x7: {  	s14 =	simm.s32 $0x0;
	s3 =	sand.u32 $0x80, s3;
	s5 =	sand.u32 $0x10, s5  }
0x8: {  	s4 =	sadd.s32 $0xE00, s4;
	s6 =	ssub.s32 $0x100, s3;
	s8 =	sor.u32 s0, s5  }
.Ltmp0:
0x9: {  	s5 =	sand.u32 $0x3, s0;
	s7 =	sshrl.u32 s6, $0x7;
	(pc) =	sbr.rel .LBB1_1-.Ltmp0, $4  }
0xa: {  	s12 =	smov.u32 s3;
	s9 =	sshrl.u32 s6, $0x8;
	s7 =	sand.u32 $0x1, s7  }
0xb: {  	s6 =	simm.s32 $0x1;
	s8 =	sshrl.u32 s8, $0x3;
	s7 =	sadd.s32 s9, s7  }
0xc: {  	s13 =	smov.u32 s5;
	[sflag:s6] =	ssyncpa.u1 $0x0;
	s7 =	sshll.u32 s7, $0x5  }
0xd: {  	s11 =	smov.u32 s8;
	[sflag:s31] =	ssyncpa.u1 $0x0;
	s9 =	sor.u32 $0x1, s7  }
.LBB1_4:
0xe: {  	v5 =	vld [tilespmem:s21+$0xFFFFFFD0];
	[tilespmem:s20+$0x2040 ss:$0x81] =	vst.msk $0xffff, v1  }
0xf: {  	v58 =	vld [tilespmem:s21+$0xFFFFFFE0];
	[tilespmem:s20+$0x2850 ss:$0x81] =	vst.msk $0xffff, v2  }
0x10: {  	s22 =	sshra.s32 s22, $0x2;
	v59 =	vld [tilespmem:s21+$0xFFFFFFF0];
	[tilespmem:s20+$0x3060 ss:$0x81] =	vst.msk $0xffff, v3  }
0x11: {  	v60 =	vld [tilespmem:s21+$0x0];
	[tilespmem:s20+$0x0 ss:$0x81] =	vst.msk $0xffff, v0;
	s19 =	sadd.s32 s22, s19  }
0x12: {  	v61 =	vld [tilespmem:s21+$0x10];
	[tilespmem:s19+$0x3870 ss:$0x81] =	vst.msk $0xffff, v4  }
0x13: {  	v62 =	vld [tilespmem:s21+$0x20];
	[tilespmem:s19+$0x810 ss:$0x81] =	vst.msk $0xffff, v5  }
0x14: {  	v63 =	vld [tilespmem:s21+$0xFFFFFFC0];
	[tilespmem:s19+$0x1020 ss:$0x81] =	vst.msk $0xffff, v58  }
0x15: {  	s17 =	sshll.u32 s17, $0x13;
	[tilespmem:s19+$0x1830 ss:$0x81] =	vst.msk $0xffff, v59  }
0x16: {  	s28 =	sand.u32 $0xF80, s15;
	s16 =	sshll.u32 s16, $0xC;
	s17 =	sadd.s32 s4, s17;
	[tilespmem:s19+$0x2040 ss:$0x81] =	vst.msk $0xffff, v60  }
0x17: {  	s29 =	sshrl.u32 s15, $0x3;
	s30 =	sand.u32 $0x7, s15;
	s17 =	sadd.s32 s28, s17;
	[tilespmem:s19+$0x2850 ss:$0x81] =	vst.msk $0xffff, v61  }
0x18: {  	s31 =	sand.u32 $0xF, s29;
	s15 =	sshll.u32 s30, $0x12;
	s16 =	sadd.s32 s16, s17;
	[tilespmem:s19+$0x3060 ss:$0x81] =	vst.msk $0xffff, v62  }
0x19: {  	s15 =	sor.u32 $0x400, s15;
	s16 =	sadd.s32 s31, s16;
	[tilespmem:s19+$0x0 ss:$0x81] =	vst.msk $0xffff, v63  }
0x1a: {  	[hbm4b:s16+s15] =	stream.strided.scatter [tilespmem:s18], [sflag:$0x2], $0x4000, s10, s15, $0x20;
	[tilespmem:$0x10100] =	vst v63  }
.LBB1_5:
0x1b: {  	s18 =	sadd.s32 $0x4, s11  }
0x1c: {  	s15 =	sadd.s32 $0x100, s12;
	s19 =	smov.u32 s12;
	p2 =	sgt.s32 s18, $0x7F  }
0x1d: {  	s19 =	smov.u32 @p2 s15  }
0x1e: {  	s21 =	smov.u32 s13;
	s15 =	sadd.s32 $0x4, s13;
	p3 =	sgt.s32 s19, $0xFF  }
0x1f: {  	s21 =	smov.u32 @p3 s15  }
0x20: {  	s18 =	smov.u32 @p2 s8;
	p2 =	sgt.s32 s21, $0x3  }
0x21: {  	p1 =	slt.u32 s14, $0x2;
	s21 =	smov.u32 @p2 s5;
	p2 =	sne.s32 s14, s9  }
.Ltmp1:
0x22: {  	s20 =	simm.s32 @!p1 $0x2;
	(pc) =	sbr.rel @!p2 .LBB1_6-.Ltmp1, $4  }
0x23: {  	s16 =	smov.u32 s11;
	s17 =	smov.u32 s13;
	_ =	swait.ge @!p1 [sflag:s20], $0x4000  }
0x24: {  	p0 =	por !p0, !p0;
	[sflag:s20] =	ssyncset.done @!p1 $0x0;
	s11 =	smov.u32 s18  }
0x25: {  	s19 =	smov.u32 @p3 s3;
	s15 =	smov.u32 s12;
	[sflag:s20] =	ssyncadd.s32 @!p1 $0xFFFFC000  }
0x26: {  	s12 =	smov.u32 s19;
	s14 =	sadd.s32 $0x1, s14;
	s13 =	smov.u32 s21  }
.LBB1_1:
0x27: {  	p1 =	sge.u32 s14, s7;
	s31 =	sadd.s32 $0xFFFFFFFF, s14  }
0x28: {  	s18 =	sxor.u32 @!p1 $0xFFFFFFFF, s14;
	s19 =	sshll.u32 @!p1 s13, $0x13;
	s20 =	sshll.u32 @!p1 s12, $0xB  }
0x29: {  	s21 =	sshll.u32 @!p1 s11, $0x4;
	s18 =	sshll.u32 @!p1 s18, $0xE;
	s19 =	sadd.s32 @!p1 s2, s19  }
0x2a: {  	s21 =	sand.u32 @!p1 $0x7F0, s21;
	s18 =	sand.u32 @!p1 $0x4000, s18;
	s19 =	sadd.s32 @!p1 s20, s19  }
0x2b: {  	s20 =	simm.s32 @!p1 $0x80;
	s19 =	sadd.s32 @!p1 s21, s19;
	s21 =	simm.s32 @!p1 $0x4000  }
0x2c: {  	[tilespmem:s18], [sflag:$0x1] =	stream.strided.gather @!p1 [hbm4b:s19+s20], $0x4000, s21, s20, $0x38;
	[tilespmem:$0x10100] =	vst v63  }
0x2d: {  	p1 =	sge.u32 s31, s7  }
.Ltmp2:
0x2e: {  	_ = 	snop;
	(pc) =	sbr.rel @p1 .LBB1_5-.Ltmp2, $1  }
0x2f: {  	_ =	sdelay $0x3  }
0x30: {  	s18 =	simm.s32 $0x1  }
0x31: {  	_ =	swait.ge [sflag:s6], $0x4000;
	s18 =	simm.s32 @!p0 $0x0  }
0x32: {  	[sflag:s6] =	ssyncset.done $0x0;
	s19 =	sshll.u32 s18, $0xE  }
0x33: {  	[sflag:s6] =	ssyncadd.s32 $0xFFFFC000;
	s21 =	sor.u32 $0x40, s19  }
0x34: {  	s18 =	smul.u32 $0x10200, s18;
	v0 =	vld [tilespmem:s21+$0x30]  }
0x35: {  	v3 =	vld [tilespmem:s21+$0xFFFFFFD0]  }
0x36: {  	s18 =	sshrl.u32 s18, $0x2;
	v4 =	vld [tilespmem:s21+$0xFFFFFFE0]  }
0x37: {  	v5 =	vld [tilespmem:s21+$0xFFFFFFF0];
	s19 =	sor.u32 $0x8000, s18  }
0x38: {  	s31 =	sand.u32 $0x1, s14;
	v1 =	vld [tilespmem:s21+$0x0];
	s20 =	sadd.s32 $0x0, s19  }
0x39: {  	v2 =	vld [tilespmem:s21+$0x10];
	s18 =	smul.u32 $0x10200, s31;
	[tilespmem:s20+$0x3870 ss:$0x81] =	vst.msk $0xffff, v0  }
0x3a: {  	[tilespmem:s20+$0x810 ss:$0x81] =	vst.msk $0xffff, v3;
	v3 =	vld [tilespmem:s21+$0x20]  }
0x3b: {  	s18 =	sshrl.u32 s18, $0x2;
	v0 =	vld [tilespmem:s21+$0xFFFFFFC0];
	[tilespmem:s20+$0x1020 ss:$0x81] =	vst.msk $0xffff, v4;
	s21 =	sadd.s32 $0x80, s21  }
0x3c: {  	s22 =	simm.s32 $0x4;
	s23 =	simm.s32 $0x8;
	s18 =	sor.u32 $0x8000, s18;
	[tilespmem:s20+$0x1830 ss:$0x81] =	vst.msk $0xffff, v5;
	v4 =	vld [tilespmem:s21+$0x30]  }
.LBB1_3:
0x3d: {  	p1 =	sne.s32 s23, $0x1FC;
	v5 =	vld [tilespmem:s21+$0xFFFFFFD0];
	[tilespmem:s20+$0x2040 ss:$0x81] =	vst.msk $0xffff, v1  }
0x3e: {  	v6 =	vld [tilespmem:s21+$0xFFFFFFE0];
	[tilespmem:s20+$0x2850 ss:$0x81] =	vst.msk $0xffff, v2  }
0x3f: {  	s24 =	sshra.s32 s22, $0x2;
	s22 =	smov.u32 s23;
	v7 =	vld [tilespmem:s21+$0xFFFFFFF0];
	[tilespmem:s20+$0x3060 ss:$0x81] =	vst.msk $0xffff, v3  }
.Ltmp3:
0x40: {  	v1 =	vld [tilespmem:s21+$0x0];
	[tilespmem:s20+$0x0 ss:$0x81] =	vst.msk $0xffff, v0;
	s20 =	sadd.s32 s24, s19;
	(pc) =	sbr.rel @p1 .LBB1_3-.Ltmp3, $4  }
0x41: {  	v2 =	vld [tilespmem:s21+$0x10];
	[tilespmem:s20+$0x3870 ss:$0x81] =	vst.msk $0xffff, v4  }
0x42: {  	[tilespmem:s20+$0x810 ss:$0x81] =	vst.msk $0xffff, v5;
	v3 =	vld [tilespmem:s21+$0x20]  }
0x43: {  	v0 =	vld [tilespmem:s21+$0xFFFFFFC0];
	[tilespmem:s20+$0x1020 ss:$0x81] =	vst.msk $0xffff, v6;
	s21 =	sadd.s32 $0x80, s21  }
0x44: {  	s23 =	sadd.s32 $0x4, s23;
	v4 =	vld [tilespmem:s21+$0x30];
	[tilespmem:s20+$0x1830 ss:$0x81] =	vst.msk $0xffff, v7  }
.Ltmp4:
0x45: {  	_ = 	snop;
	(pc) =	sbr.rel .LBB1_4-.Ltmp4, $1  }
0x46: {  	_ =	sdelay $0x3  }
.LBB1_6:
0x47: {  	_ =	sfence.sel $0x180000  }
0x48: {  	s2 =	simm.s32 $0x1;
	[bflag:$0x0] =	sbarrier.arrive $0xFFFF  }
0x49: {  	s31 =	simm.s32 $0x2;
	[sflag:s2] =	ssyncpa.u1 $0x1  }
0x4a: {  	[sflag:s31] =	ssyncpa.u1 $0x1  }
0x4b: {  	p0 =	sne.s32 s0, $0x0;
	_ =	strace $0x90000047  }
0x4c: {  	s0 =	sadd.s32 @!p0 $0x100000, s1;
	[bflag:$0x2] =	sbarrier.arrive $0xFFFF  }
0x4d: {  	[sflag:s0] =	ssyncadd.tile.s32 @!p0 $0x1;
	_ =	shalt  }
.Lfunc_end1:
_tile_overlayer_lowered:
.L_overlay_start_2:
0x4e: {  	(tag) =	ssettag $0x2  }
0x4f: {  	s0 =	rddreg [dreg:$0x0];
	s2 =	stileid.u32  }
0x50: {  	s1 =	rddreg [dreg:$0x1];
	p0 =	sne.s32 s2, $0x0  }
0x51: {  	s3 =	rddreg [dreg:$0x2];
	[bflag:$0x3] =	sbarrier.arrive $0xFFFF;
	s2 =	simm.s32 @!p0 $0x1C01  }
0x52: {  	[timem:s3], [sflag:s2] =	dma.local @!p0 [hbm:s0], s1  }
0x53: {  	s0 =	simm.s32 @!p0 $0x1  }
0x54: {  	_ =	swait.ge @!p0 [sflag:s0], s1  }
0x55: {  	s1 =	ssub.s32 @!p0 $0x0, s1;
	[sflag:s0] =	ssyncset.done @!p0 $0x0  }
0x56: {  	[sflag:s0] =	ssyncadd.s32 @!p0 s1  }
0x57: {  	[bflag:$0x3] =	sbarrier.arrive $0xFFFF  }
0x58: {  	_ =	shalt  }

</sc_bundles>
